<compile_context>
chip_gen: v7x
topology: tpu7x:2x2x1
jax: 0.10.2.dev20260603
libtpu: 0.0.44.dev20260713+nightly
codegen_flags: <defaults>
</compile_context>

<pallas_src>
import functools

import jax
import jax.numpy as jnp
from jax import lax
from jax.experimental import pallas as pl
from jax.experimental.pallas import tpu as pltpu
from jax.experimental.pallas import tpu_sc as plsc

N = 10000
G = 16
D = 128
EPS = 1e-5

NC = 2
NS = 16
NW = NC * NS
C = 128

ROWS = 10240
RPT = ROWS // NS

_mesh = plsc.VectorSubcoreMesh(core_axis_name="c", subcore_axis_name="s")



def _deg_body(edges, zeros1d, degs, hist, sh, acc, tmp, idx):
    nch2 = edges.shape[2]
    cid = lax.axis_index("c")
    sid = lax.axis_index("s")
    r0 = sid * RPT
    pltpu.sync_copy(zeros1d, hist)
    ones = jnp.ones((16,), jnp.float32)

    def body(j, carry):
        pltpu.sync_copy(edges.at[cid, sid, j], idx)
        for i in range(C // 16):
            plsc.addupdate_scatter(hist, [idx[pl.ds(i * 16, 16)]], ones)
        return carry

    lax.fori_loop(0, nch2, body, 0)

    pltpu.sync_copy(hist, sh.at[sid])
    plsc.subcore_barrier()

    pltpu.sync_copy(sh.at[0, pl.ds(r0, RPT)], acc)

    def red(k, carry):
        pltpu.sync_copy(sh.at[k, pl.ds(r0, RPT)], tmp)
        for i in range(RPT // 16):
            s = pl.ds(i * 16, 16)
            acc[s] = acc[s] + tmp[s]
        return carry

    lax.fori_loop(1, NS, red, 0)
    pltpu.sync_copy(acc, degs.at[cid, 0, pl.ds(r0, RPT)])


def _sc_degrees(edges):
    zeros1d = jnp.zeros((ROWS,), jnp.float32)
    out_type = jax.ShapeDtypeStruct((NC, 1, ROWS), jnp.float32)
    scratch = [
        pltpu.VMEM((ROWS,), jnp.float32),
        pltpu.VMEM_SHARED((NS, ROWS), jnp.float32),
        pltpu.VMEM((RPT,), jnp.float32),
        pltpu.VMEM((RPT,), jnp.float32),
        pltpu.VMEM((C,), jnp.int32),
    ]
    fn = pl.kernel(_deg_body, out_type=out_type, mesh=_mesh,
                   scratch_types=scratch,
                   compiler_params=pltpu.CompilerParams(
                       needs_layout_passes=False))
    return fn(edges, zeros1d)


def _agg_body(xs, srcg, dstp, zrows, out, agg_sh, rows_v, idx_s, idx_d, sem):
    nch = srcg.shape[2]
    cid = lax.axis_index("c")
    sid = lax.axis_index("s")
    r0 = sid * RPT
    pltpu.sync_copy(zrows, agg_sh.at[pl.ds(r0, RPT)])
    plsc.subcore_barrier()

    def body(j, carry):
        pltpu.sync_copy(srcg.at[cid, sid, j], idx_s)
        pltpu.sync_copy(dstp.at[cid, sid, j], idx_d)
        pltpu.async_copy(xs.at[idx_s], rows_v, sem).wait()
        pltpu.sync_copy(rows_v, agg_sh.at[idx_d], add=True)
        return carry

    lax.fori_loop(0, nch, body, 0)
    plsc.subcore_barrier()
    pltpu.sync_copy(agg_sh.at[pl.ds(r0, RPT)], out.at[cid, pl.ds(r0, RPT)])


def _sc_aggregate(xs, srcg, dstp):
    zrows = jnp.zeros((RPT, D), jnp.float32)
    out_type = jax.ShapeDtypeStruct((NC, ROWS, D), jnp.float32)
    scratch = [
        pltpu.VMEM_SHARED((ROWS, D), jnp.float32),
        pltpu.VMEM((C, D), jnp.float32),
        pltpu.VMEM((C,), jnp.int32),
        pltpu.VMEM((C,), jnp.int32),
        pltpu.SemaphoreType.DMA,
    ]
    fn = pl.kernel(_agg_body, out_type=out_type, mesh=_mesh,
                   scratch_types=scratch)
    return fn(xs, srcg, dstp, zrows)



def _norm_col(deg):
    return jnp.where(deg > 0, lax.rsqrt(jnp.maximum(deg, 1.0)), 0.0)


def _tc_a_body(h_ref, w_ref, dego_ref, xs_ref):
    ns = _norm_col(dego_ref[...])
    x = lax.dot_general(h_ref[...], w_ref[...], (((1,), (1,)), ((), ())),
                        preferred_element_type=jnp.float32)
    xs_ref[...] = x * ns


def _tc_a(h, weights, dego):
    return pl.pallas_call(
        _tc_a_body,
        out_shape=jax.ShapeDtypeStruct((N, D), jnp.float32),
    )(h, weights, dego)


def _layer_post(aggp, degi, W, b, g, beta):
    nd = _norm_col(degi)
    agg = (aggp[0, :N, :] + aggp[1, :N, :]) * nd
    t = lax.dot_general(agg, W, (((1,), (0,)), ((), ())),
                        preferred_element_type=jnp.float32) + b
    m = jnp.mean(t, axis=0, keepdims=True)
    v = jnp.mean((t - m) ** 2, axis=0, keepdims=True)
    t = (t - m) * lax.rsqrt(v + EPS) * g + beta
    return jnp.maximum(t, 0.0)


def _tc_b_body(aggp_ref, dego_ref, degi_ref, W_ref, b_ref, g_ref, beta_ref,
               xs_ref):
    r = _layer_post(aggp_ref[...], degi_ref[...], W_ref[...], b_ref[...],
                    g_ref[...], beta_ref[...])
    xs_ref[...] = r * _norm_col(dego_ref[...])


def _tc_b(aggp, dego, degi, W, b, g, beta):
    return pl.pallas_call(
        _tc_b_body,
        out_shape=jax.ShapeDtypeStruct((N, D), jnp.float32),
    )(aggp, dego, degi, W, b, g, beta)


def _tc_c_body(aggp_ref, degi_ref, W_ref, b_ref, g_ref, beta_ref, gid_ref,
               fcW_ref, fcb_ref, out_ref):
    r = _layer_post(aggp_ref[...], degi_ref[...], W_ref[...], b_ref[...],
                    g_ref[...], beta_ref[...])
    gid = gid_ref[...]
    neg = jnp.float32(-jnp.inf)
    rows = [jnp.max(jnp.where(gid == gg, r, neg), axis=0, keepdims=True)
            for gg in range(G)]
    pooled = jnp.concatenate(rows, axis=0)
    out_ref[...] = lax.dot_general(pooled, fcW_ref[...],
                                   (((1,), (1,)), ((), ())),
                                   preferred_element_type=jnp.float32) \
        + fcb_ref[...]


def _tc_c(aggp, degi, W, b, g, beta, gid, fcW, fcb):
    return pl.pallas_call(
        _tc_c_body,
        out_shape=jax.ShapeDtypeStruct((G, D), jnp.float32),
    )(aggp, degi, W, b, g, beta, gid, fcW, fcb)



def kernel(h, edge_index, graph_ids, weights, W0, b0, g0, beta0,
           W1, b1, g1, beta1, fcW, fcb):
    src = edge_index[0]
    dst = edge_index[1]
    E = src.shape[0]
    ept = E // NW
    nch = -(-ept // C)
    pad = nch * C - ept

    srcm = src.reshape(NW, ept)
    dstm = dst.reshape(NW, ept)
    shape4 = (NC, NS, nch, C)
    srcg = jnp.pad(srcm, ((0, 0), (0, pad))).reshape(shape4)
    srcd = jnp.pad(srcm, ((0, 0), (0, pad)),
                   constant_values=N).reshape(shape4)
    dstp = jnp.pad(dstm, ((0, 0), (0, pad)),
                   constant_values=N).reshape(shape4)

    b0r, g0r, beta0r = b0.reshape(1, -1), g0.reshape(1, -1), beta0.reshape(1, -1)
    b1r, g1r, beta1r = b1.reshape(1, -1), g1.reshape(1, -1), beta1.reshape(1, -1)
    fcbr = fcb.reshape(1, -1)
    gid = graph_ids.reshape(N, 1)

    edges_deg = jnp.stack([srcd.reshape(NS, 2 * nch, C),
                           dstp.reshape(NS, 2 * nch, C)])
    degs = _sc_degrees(edges_deg)
    dego = degs[0, 0, :N].reshape(N, 1)
    degi = degs[1, 0, :N].reshape(N, 1)
    xs1 = _tc_a(h, weights, dego)
    aggp1 = _sc_aggregate(xs1, srcg, dstp)
    xs2 = _tc_b(aggp1, dego, degi, W0, b0r, g0r, beta0r)
    aggp2 = _sc_aggregate(xs2, srcg, dstp)
    out = _tc_c(aggp2, degi, W1, b1r, g1r, beta1r, gid, fcW, fcbr)
    return out

# --- scband reference (transcript-rebuilt; emitter-appended) ---
"""Pipeline reference for scband-wa-gcn-22625887715769 (READ-ONLY COPY).

The authoritative reference and input builder live on the scoring server;
editing this copy changes nothing except your own understanding.
"""

import jax, jax.numpy as jnp
import numpy as np

N = 10000
E = 320000
G = 16
D = 128   # num_classes (input feat dim)
H = 128   # hid_channels
O = 128   # out_channels
EPS = 1e-5


def setup_inputs(seed: int = 0) -> dict:
    key = jax.random.key(seed)
    ks = jax.random.split(key, 16)
    h = jax.random.normal(ks[0], (N, D), dtype=jnp.float32)
    edge_index = jax.random.randint(ks[1], (2, E), 0, N, dtype=jnp.int32)
    graph_ids = jnp.sort(jax.random.randint(ks[2], (N,), 0, G, dtype=jnp.int32))
    # learned params
    weights = jax.random.normal(ks[3], (D, D), dtype=jnp.float32) / np.sqrt(D)
    W0 = jax.random.normal(ks[4], (D, H), dtype=jnp.float32) / np.sqrt(D)
    b0 = jnp.zeros((H,), dtype=jnp.float32)
    g0 = jnp.ones((H,), dtype=jnp.float32)
    beta0 = jnp.zeros((H,), dtype=jnp.float32)
    W1 = jax.random.normal(ks[5], (H, H), dtype=jnp.float32) / np.sqrt(H)
    b1 = jnp.zeros((H,), dtype=jnp.float32)
    g1 = jnp.ones((H,), dtype=jnp.float32)
    beta1 = jnp.zeros((H,), dtype=jnp.float32)
    fcW = jax.random.normal(ks[6], (O, H), dtype=jnp.float32) / np.sqrt(H)
    fcb = jnp.zeros((O,), dtype=jnp.float32)
    return {"h": h, "edge_index": edge_index, "graph_ids": graph_ids,
            "weights": weights, "W0": W0, "b0": b0, "g0": g0, "beta0": beta0,
            "W1": W1, "b1": b1, "g1": g1, "beta1": beta1, "fcW": fcW, "fcb": fcb}


def _gcn_layer(x, W, b, src, dst):
    # DGL GraphConv with norm='both': D^{-1/2} A D^{-1/2} X W + b
    n = x.shape[0]
    ones = jnp.ones((src.shape[0],), dtype=x.dtype)
    deg_out = jnp.zeros((n,), dtype=x.dtype).at[src].add(ones)
    deg_in = jnp.zeros((n,), dtype=x.dtype).at[dst].add(ones)
    ns = jnp.where(deg_out > 0, jax.lax.rsqrt(jnp.maximum(deg_out, 1.0)), 0.0)
    nd = jnp.where(deg_in > 0, jax.lax.rsqrt(jnp.maximum(deg_in, 1.0)), 0.0)
    xs = x * ns[:, None]
    msg = jnp.take(xs, src, axis=0)
    agg = jnp.zeros((n, x.shape[1]), dtype=x.dtype).at[dst].add(msg)
    agg = agg * nd[:, None]
    return agg @ W + b


def _bn(x, g, beta):
    mean = jnp.mean(x, axis=0)
    var = jnp.var(x, axis=0)
    xn = (x - mean) * jax.lax.rsqrt(var + EPS)
    return xn * g + beta


def reference(h, edge_index, graph_ids, weights, W0, b0, g0, beta0, W1, b1, g1, beta1, fcW, fcb):
    src = edge_index[0]
    dst = edge_index[1]
    x = h @ weights.T
    x = _gcn_layer(x, W0, b0, src, dst)
    x = jax.nn.relu(_bn(x, g0, beta0))
    x = _gcn_layer(x, W1, b1, src, dst)
    x = jax.nn.relu(_bn(x, g1, beta1))
    pooled = jax.ops.segment_max(x, graph_ids, num_segments=G)  # dgl.max_nodes
    out = pooled @ fcW.T + fcb
    return out

if __name__ == "__main__":
    import jax
    _d = setup_inputs()
    print(jax.jit(kernel)(*tuple(_d.values())))

</pallas_src>

<mosaic_0001>
#map = affine_map<(d0, d1) -> (0, 0, 0, 0)>
#map1 = affine_map<(d0, d1) -> (0)>
#map2 = affine_map<(d0, d1) -> (0, 0, 0)>
module attributes {stable_mosaic.version = 14 : i64} {
  func.func @_deg_body(%arg0: i32, %arg1: i32, %arg2: memref<2x16x158x128xi32, #tpu.memory_space<hbm>>, %arg3: memref<10240xf32, #tpu.memory_space<hbm>>, %arg4: memref<2x1x10240xf32, #tpu.memory_space<hbm>>, %arg5: memref<10240xf32, #tpu.memory_space<vmem>>, %arg6: memref<16x10240xf32, #tpu.memory_space<vmem_shared>>, %arg7: memref<640xf32, #tpu.memory_space<vmem>>, %arg8: memref<640xf32, #tpu.memory_space<vmem>>, %arg9: memref<128xi32, #tpu.memory_space<vmem>>) attributes {dimension_semantics = [#tpu.dimension_semantics<core_parallel>, #tpu.dimension_semantics<subcore_parallel>], iteration_bounds = array<i64: 2, 16>, scalar_prefetch = 0 : i64, scratch_operands = 5 : i64, tpu.core_type = #tpu.core_type<sc_vector_subcore>, window_params = [{transform_indices = #map}, {transform_indices = #map1}, {transform_indices = #map2}]} {
    %mul3A = arith.constant 640 : i32
    %mul3A_0 = arith.muli %arg1, %mul3A : i32
    "tpu.region"() ({
      %run_scoped3A_14 = tpu.sem_alloc : memref<!tpu.dma_semaphore, #tpu.memory_space<semaphore_mem>>
      tpu.enqueue_dma source(%arg3 : memref<10240xf32, #tpu.memory_space<hbm>>) target(%arg5 : memref<10240xf32, #tpu.memory_space<vmem>>) target_semaphore(%run_scoped3A_14 : memref<!tpu.dma_semaphore, #tpu.memory_space<semaphore_mem>>)
      tpu.wait_dma2 semaphore(%run_scoped3A_14 : memref<!tpu.dma_semaphore, #tpu.memory_space<semaphore_mem>>) src(%arg3 : memref<10240xf32, #tpu.memory_space<hbm>>) dst(%arg5 : memref<10240xf32, #tpu.memory_space<vmem>>)
      tpu.yield
    }) : () -> ()
    %broadcast_in_dim3A = arith.constant 1.000000e+00 : f32
    %broadcast_in_dim3A_1 = vector.broadcast %broadcast_in_dim3A : f32 to vector<16xf32>
    %scan3A = arith.constant 0 : i32
    %scan3A_2 = arith.constant 0 : i32
    %scan3A_3 = arith.constant 158 : i32
    %scan3A_4 = arith.addi %scan3A_2, %scan3A_3 : i32
    %scan3A_5 = arith.constant 1 : i32
    scf.for %scan3A_14 = %scan3A_2 to %scan3A_4 step %scan3A_5  : i32 {
      "tpu.region"() ({
        %run_scoped3A_30 = tpu.sem_alloc : memref<!tpu.dma_semaphore, #tpu.memory_space<semaphore_mem>>
        %dma_start3A = arith.constant 0 : i32
        %dma_start3A_31 = tpu.memref_slice %arg2[%arg0, %arg1, %scan3A_14, %dma_start3A] : memref<2x16x158x128xi32, #tpu.memory_space<hbm>> -> memref<1x1x1x128xi32, #tpu.memory_space<hbm>>
        %dma_start3A_32 = tpu.memref_squeeze %dma_start3A_31 : memref<1x1x1x128xi32, #tpu.memory_space<hbm>> -> memref<128xi32, #tpu.memory_space<hbm>>
        %dma_start3A_33 = arith.constant 0 : i32
        %dma_start3A_34 = tpu.memref_slice %arg2[%arg0, %arg1, %scan3A_14, %dma_start3A_33] : memref<2x16x158x128xi32, #tpu.memory_space<hbm>> -> memref<1x1x1x128xi32, #tpu.memory_space<hbm>>
        %dma_start3A_35 = tpu.memref_squeeze %dma_start3A_34 : memref<1x1x1x128xi32, #tpu.memory_space<hbm>> -> memref<128xi32, #tpu.memory_space<hbm>>
        tpu.enqueue_dma source(%dma_start3A_35 : memref<128xi32, #tpu.memory_space<hbm>>) target(%arg9 : memref<128xi32, #tpu.memory_space<vmem>>) target_semaphore(%run_scoped3A_30 : memref<!tpu.dma_semaphore, #tpu.memory_space<semaphore_mem>>)
        %dma_wait3A = arith.constant 0 : i32
        %dma_wait3A_36 = tpu.memref_slice %arg2[%arg0, %arg1, %scan3A_14, %dma_wait3A] : memref<2x16x158x128xi32, #tpu.memory_space<hbm>> -> memref<1x1x1x128xi32, #tpu.memory_space<hbm>>
        %dma_wait3A_37 = tpu.memref_squeeze %dma_wait3A_36 : memref<1x1x1x128xi32, #tpu.memory_space<hbm>> -> memref<128xi32, #tpu.memory_space<hbm>>
        %dma_wait3A_38 = arith.constant 0 : i32
        %dma_wait3A_39 = tpu.memref_slice %arg2[%arg0, %arg1, %scan3A_14, %dma_wait3A_38] : memref<2x16x158x128xi32, #tpu.memory_space<hbm>> -> memref<1x1x1x128xi32, #tpu.memory_space<hbm>>
        %dma_wait3A_40 = tpu.memref_squeeze %dma_wait3A_39 : memref<1x1x1x128xi32, #tpu.memory_space<hbm>> -> memref<128xi32, #tpu.memory_space<hbm>>
        tpu.wait_dma2 semaphore(%run_scoped3A_30 : memref<!tpu.dma_semaphore, #tpu.memory_space<semaphore_mem>>) src(%dma_wait3A_40 : memref<128xi32, #tpu.memory_space<hbm>>) dst(%arg9 : memref<128xi32, #tpu.memory_space<vmem>>)
        tpu.yield
      }) : () -> ()
      %get3A = arith.constant 0 : index
      %get3A_15 = tpu.vector_load %arg9[%get3A] {strides = array<i32>} : memref<128xi32, #tpu.memory_space<vmem>>, vector<16xi32>,
      tpu.vector_store_idx %arg5[%get3A_15], %broadcast_in_dim3A_1 {add = true} : memref<10240xf32, #tpu.memory_space<vmem>>[vector<16xi32>], vector<16xf32>,
      %get3A_16 = arith.constant 16 : index
      %get3A_17 = tpu.vector_load %arg9[%get3A_16] {strides = array<i32>} : memref<128xi32, #tpu.memory_space<vmem>>, vector<16xi32>,
      tpu.vector_store_idx %arg5[%get3A_17], %broadcast_in_dim3A_1 {add = true} : memref<10240xf32, #tpu.memory_space<vmem>>[vector<16xi32>], vector<16xf32>,
      %get3A_18 = arith.constant 32 : index
      %get3A_19 = tpu.vector_load %arg9[%get3A_18] {strides = array<i32>} : memref<128xi32, #tpu.memory_space<vmem>>, vector<16xi32>,
      tpu.vector_store_idx %arg5[%get3A_19], %broadcast_in_dim3A_1 {add = true} : memref<10240xf32, #tpu.memory_space<vmem>>[vector<16xi32>], vector<16xf32>,
      %get3A_20 = arith.constant 48 : index
      %get3A_21 = tpu.vector_load %arg9[%get3A_20] {strides = array<i32>} : memref<128xi32, #tpu.memory_space<vmem>>, vector<16xi32>,
      tpu.vector_store_idx %arg5[%get3A_21], %broadcast_in_dim3A_1 {add = true} : memref<10240xf32, #tpu.memory_space<vmem>>[vector<16xi32>], vector<16xf32>,
      %get3A_22 = arith.constant 64 : index
      %get3A_23 = tpu.vector_load %arg9[%get3A_22] {strides = array<i32>} : memref<128xi32, #tpu.memory_space<vmem>>, vector<16xi32>,
      tpu.vector_store_idx %arg5[%get3A_23], %broadcast_in_dim3A_1 {add = true} : memref<10240xf32, #tpu.memory_space<vmem>>[vector<16xi32>], vector<16xf32>,
      %get3A_24 = arith.constant 80 : index
      %get3A_25 = tpu.vector_load %arg9[%get3A_24] {strides = array<i32>} : memref<128xi32, #tpu.memory_space<vmem>>, vector<16xi32>,
      tpu.vector_store_idx %arg5[%get3A_25], %broadcast_in_dim3A_1 {add = true} : memref<10240xf32, #tpu.memory_space<vmem>>[vector<16xi32>], vector<16xf32>,
      %get3A_26 = arith.constant 96 : index
      %get3A_27 = tpu.vector_load %arg9[%get3A_26] {strides = array<i32>} : memref<128xi32, #tpu.memory_space<vmem>>, vector<16xi32>,
      tpu.vector_store_idx %arg5[%get3A_27], %broadcast_in_dim3A_1 {add = true} : memref<10240xf32, #tpu.memory_space<vmem>>[vector<16xi32>], vector<16xf32>,
      %get3A_28 = arith.constant 112 : index
      %get3A_29 = tpu.vector_load %arg9[%get3A_28] {strides = array<i32>} : memref<128xi32, #tpu.memory_space<vmem>>, vector<16xi32>,
      tpu.vector_store_idx %arg5[%get3A_29], %broadcast_in_dim3A_1 {add = true} : memref<10240xf32, #tpu.memory_space<vmem>>[vector<16xi32>], vector<16xf32>,
    }
    %scan3A_6 = arith.constant 158 : i32
    "tpu.region"() ({
      %run_scoped3A_14 = tpu.sem_alloc : memref<!tpu.dma_semaphore, #tpu.memory_space<semaphore_mem>>
      %dma_start3A = arith.constant 0 : i32
      %dma_start3A_15 = tpu.memref_slice %arg6[%arg1, %dma_start3A] : memref<16x10240xf32, #tpu.memory_space<vmem_shared>> -> memref<1x10240xf32, #tpu.memory_space<vmem_shared>>
      %dma_start3A_16 = tpu.memref_squeeze %dma_start3A_15 : memref<1x10240xf32, #tpu.memory_space<vmem_shared>> -> memref<10240xf32, #tpu.memory_space<vmem_shared>>
      %dma_start3A_17 = arith.constant 0 : i32
      %dma_start3A_18 = tpu.memref_slice %arg6[%arg1, %dma_start3A_17] : memref<16x10240xf32, #tpu.memory_space<vmem_shared>> -> memref<1x10240xf32, #tpu.memory_space<vmem_shared>>
      %dma_start3A_19 = tpu.memref_squeeze %dma_start3A_18 : memref<1x10240xf32, #tpu.memory_space<vmem_shared>> -> memref<10240xf32, #tpu.memory_space<vmem_shared>>
      tpu.enqueue_dma source(%arg5 : memref<10240xf32, #tpu.memory_space<vmem>>) target(%dma_start3A_19 : memref<10240xf32, #tpu.memory_space<vmem_shared>>) target_semaphore(%run_scoped3A_14 : memref<!tpu.dma_semaphore, #tpu.memory_space<semaphore_mem>>)
      %dma_wait3A = arith.constant 0 : i32
      %dma_wait3A_20 = tpu.memref_slice %arg6[%arg1, %dma_wait3A] : memref<16x10240xf32, #tpu.memory_space<vmem_shared>> -> memref<1x10240xf32, #tpu.memory_space<vmem_shared>>
      %dma_wait3A_21 = tpu.memref_squeeze %dma_wait3A_20 : memref<1x10240xf32, #tpu.memory_space<vmem_shared>> -> memref<10240xf32, #tpu.memory_space<vmem_shared>>
      %dma_wait3A_22 = arith.constant 0 : i32
      %dma_wait3A_23 = tpu.memref_slice %arg6[%arg1, %dma_wait3A_22] : memref<16x10240xf32, #tpu.memory_space<vmem_shared>> -> memref<1x10240xf32, #tpu.memory_space<vmem_shared>>
      %dma_wait3A_24 = tpu.memref_squeeze %dma_wait3A_23 : memref<1x10240xf32, #tpu.memory_space<vmem_shared>> -> memref<10240xf32, #tpu.memory_space<vmem_shared>>
      tpu.wait_dma2 semaphore(%run_scoped3A_14 : memref<!tpu.dma_semaphore, #tpu.memory_space<semaphore_mem>>) src(%arg5 : memref<10240xf32, #tpu.memory_space<vmem>>) dst(%dma_wait3A_24 : memref<10240xf32, #tpu.memory_space<vmem_shared>>)
      tpu.yield
    }) : () -> ()
    %barrier3A = arith.constant 0 : index
    tpu.barrier barrier_id(%barrier3A)
    %run_scoped3A = arith.constant 0 : i32
    "tpu.region"() ({
      %run_scoped3A_14 = tpu.sem_alloc : memref<!tpu.dma_semaphore, #tpu.memory_space<semaphore_mem>>
      %dma_start3A = tpu.memref_slice %arg6[%run_scoped3A, %mul3A_0] : memref<16x10240xf32, #tpu.memory_space<vmem_shared>> -> memref<1x640xf32, #tpu.memory_space<vmem_shared>>
      %dma_start3A_15 = tpu.memref_squeeze %dma_start3A : memref<1x640xf32, #tpu.memory_space<vmem_shared>> -> memref<640xf32, #tpu.memory_space<vmem_shared>>
      %dma_start3A_16 = tpu.memref_slice %arg6[%run_scoped3A, %mul3A_0] : memref<16x10240xf32, #tpu.memory_space<vmem_shared>> -> memref<1x640xf32, #tpu.memory_space<vmem_shared>>
      %dma_start3A_17 = tpu.memref_squeeze %dma_start3A_16 : memref<1x640xf32, #tpu.memory_space<vmem_shared>> -> memref<640xf32, #tpu.memory_space<vmem_shared>>
      tpu.enqueue_dma source(%dma_start3A_17 : memref<640xf32, #tpu.memory_space<vmem_shared>>) target(%arg7 : memref<640xf32, #tpu.memory_space<vmem>>) target_semaphore(%run_scoped3A_14 : memref<!tpu.dma_semaphore, #tpu.memory_space<semaphore_mem>>)
      %dma_wait3A = tpu.memref_slice %arg6[%run_scoped3A, %mul3A_0] : memref<16x10240xf32, #tpu.memory_space<vmem_shared>> -> memref<1x640xf32, #tpu.memory_space<vmem_shared>>
      %dma_wait3A_18 = tpu.memref_squeeze %dma_wait3A : memref<1x640xf32, #tpu.memory_space<vmem_shared>> -> memref<640xf32, #tpu.memory_space<vmem_shared>>
      %dma_wait3A_19 = tpu.memref_slice %arg6[%run_scoped3A, %mul3A_0] : memref<16x10240xf32, #tpu.memory_space<vmem_shared>> -> memref<1x640xf32, #tpu.memory_space<vmem_shared>>
      %dma_wait3A_20 = tpu.memref_squeeze %dma_wait3A_19 : memref<1x640xf32, #tpu.memory_space<vmem_shared>> -> memref<640xf32, #tpu.memory_space<vmem_shared>>
      tpu.wait_dma2 semaphore(%run_scoped3A_14 : memref<!tpu.dma_semaphore, #tpu.memory_space<semaphore_mem>>) src(%dma_wait3A_20 : memref<640xf32, #tpu.memory_space<vmem_shared>>) dst(%arg7 : memref<640xf32, #tpu.memory_space<vmem>>)
      tpu.yield
    }) : () -> ()
    %scan3A_7 = arith.constant 0 : i32
    %scan3A_8 = arith.constant 1 : i32
    %scan3A_9 = arith.constant 15 : i32
    %scan3A_10 = arith.addi %scan3A_8, %scan3A_9 : i32
    %scan3A_11 = arith.constant 1 : i32
    scf.for %scan3A_14 = %scan3A_8 to %scan3A_10 step %scan3A_11  : i32 {
      "tpu.region"() ({
        %run_scoped3A_292 = tpu.sem_alloc : memref<!tpu.dma_semaphore, #tpu.memory_space<semaphore_mem>>
        %dma_start3A = tpu.memref_slice %arg6[%scan3A_14, %mul3A_0] : memref<16x10240xf32, #tpu.memory_space<vmem_shared>> -> memref<1x640xf32, #tpu.memory_space<vmem_shared>>
        %dma_start3A_293 = tpu.memref_squeeze %dma_start3A : memref<1x640xf32, #tpu.memory_space<vmem_shared>> -> memref<640xf32, #tpu.memory_space<vmem_shared>>
        %dma_start3A_294 = tpu.memref_slice %arg6[%scan3A_14, %mul3A_0] : memref<16x10240xf32, #tpu.memory_space<vmem_shared>> -> memref<1x640xf32, #tpu.memory_space<vmem_shared>>
        %dma_start3A_295 = tpu.memref_squeeze %dma_start3A_294 : memref<1x640xf32, #tpu.memory_space<vmem_shared>> -> memref<640xf32, #tpu.memory_space<vmem_shared>>
        tpu.enqueue_dma source(%dma_start3A_295 : memref<640xf32, #tpu.memory_space<vmem_shared>>) target(%arg8 : memref<640xf32, #tpu.memory_space<vmem>>) target_semaphore(%run_scoped3A_292 : memref<!tpu.dma_semaphore, #tpu.memory_space<semaphore_mem>>)
        %dma_wait3A = tpu.memref_slice %arg6[%scan3A_14, %mul3A_0] : memref<16x10240xf32, #tpu.memory_space<vmem_shared>> -> memref<1x640xf32, #tpu.memory_space<vmem_shared>>
        %dma_wait3A_296 = tpu.memref_squeeze %dma_wait3A : memref<1x640xf32, #tpu.memory_space<vmem_shared>> -> memref<640xf32, #tpu.memory_space<vmem_shared>>
        %dma_wait3A_297 = tpu.memref_slice %arg6[%scan3A_14, %mul3A_0] : memref<16x10240xf32, #tpu.memory_space<vmem_shared>> -> memref<1x640xf32, #tpu.memory_space<vmem_shared>>
        %dma_wait3A_298 = tpu.memref_squeeze %dma_wait3A_297 : memref<1x640xf32, #tpu.memory_space<vmem_shared>> -> memref<640xf32, #tpu.memory_space<vmem_shared>>
        tpu.wait_dma2 semaphore(%run_scoped3A_292 : memref<!tpu.dma_semaphore, #tpu.memory_space<semaphore_mem>>) src(%dma_wait3A_298 : memref<640xf32, #tpu.memory_space<vmem_shared>>) dst(%arg8 : memref<640xf32, #tpu.memory_space<vmem>>)
        tpu.yield
      }) : () -> ()
      %get3A = arith.constant 0 : index
      %get3A_15 = tpu.vector_load %arg7[%get3A] {strides = array<i32>} : memref<640xf32, #tpu.memory_space<vmem>>, vector<16xf32>,
      %get3A_16 = arith.constant 0 : index
      %get3A_17 = tpu.vector_load %arg8[%get3A_16] {strides = array<i32>} : memref<640xf32, #tpu.memory_space<vmem>>, vector<16xf32>,
      %add3A = arith.addf %get3A_15, %get3A_17 : vector<16xf32>
      %swap3A = arith.constant 0 : index
      %swap3A_18 = tpu.vector_load %arg7[%swap3A] {strides = array<i32>} : memref<640xf32, #tpu.memory_space<vmem>>, vector<16xf32>,
      tpu.vector_store %arg7[%swap3A], %add3A {strides = array<i32>} : memref<640xf32, #tpu.memory_space<vmem>>, vector<16xf32>,
      %get3A_19 = arith.constant 16 : index
      %get3A_20 = tpu.vector_load %arg7[%get3A_19] {strides = array<i32>} : memref<640xf32, #tpu.memory_space<vmem>>, vector<16xf32>,
      %get3A_21 = arith.constant 16 : index
      %get3A_22 = tpu.vector_load %arg8[%get3A_21] {strides = array<i32>} : memref<640xf32, #tpu.memory_space<vmem>>, vector<16xf32>,
      %add3A_23 = arith.addf %get3A_20, %get3A_22 : vector<16xf32>
      %swap3A_24 = arith.constant 16 : index
      %swap3A_25 = tpu.vector_load %arg7[%swap3A_24] {strides = array<i32>} : memref<640xf32, #tpu.memory_space<vmem>>, vector<16xf32>,
      tpu.vector_store %arg7[%swap3A_24], %add3A_23 {strides = array<i32>} : memref<640xf32, #tpu.memory_space<vmem>>, vector<16xf32>,
      %get3A_26 = arith.constant 32 : index
      %get3A_27 = tpu.vector_load %arg7[%get3A_26] {strides = array<i32>} : memref<640xf32, #tpu.memory_space<vmem>>, vector<16xf32>,
      %get3A_28 = arith.constant 32 : index
      %get3A_29 = tpu.vector_load %arg8[%get3A_28] {strides = array<i32>} : memref<640xf32, #tpu.memory_space<vmem>>, vector<16xf32>,
      %add3A_30 = arith.addf %get3A_27, %get3A_29 : vector<16xf32>
      %swap3A_31 = arith.constant 32 : index
      %swap3A_32 = tpu.vector_load %arg7[%swap3A_31] {strides = array<i32>} : memref<640xf32, #tpu.memory_space<vmem>>, vector<16xf32>,
      tpu.vector_store %arg7[%swap3A_31], %add3A_30 {strides = array<i32>} : memref<640xf32, #tpu.memory_space<vmem>>, vector<16xf32>,
      %get3A_33 = arith.constant 48 : index
      %get3A_34 = tpu.vector_load %arg7[%get3A_33] {strides = array<i32>} : memref<640xf32, #tpu.memory_space<vmem>>, vector<16xf32>,
      %get3A_35 = arith.constant 48 : index
      %get3A_36 = tpu.vector_load %arg8[%get3A_35] {strides = array<i32>} : memref<640xf32, #tpu.memory_space<vmem>>, vector<16xf32>,
      %add3A_37 = arith.addf %get3A_34, %get3A_36 : vector<16xf32>
      %swap3A_38 = arith.constant 48 : index
      %swap3A_39 = tpu.vector_load %arg7[%swap3A_38] {strides = array<i32>} : memref<640xf32, #tpu.memory_space<vmem>>, vector<16xf32>,
      tpu.vector_store %arg7[%swap3A_38], %add3A_37 {strides = array<i32>} : memref<640xf32, #tpu.memory_space<vmem>>, vector<16xf32>,
      %get3A_40 = arith.constant 64 : index
      %get3A_41 = tpu.vector_load %arg7[%get3A_40] {strides = array<i32>} : memref<640xf32, #tpu.memory_space<vmem>>, vector<16xf32>,
      %get3A_42 = arith.constant 64 : index
      %get3A_43 = tpu.vector_load %arg8[%get3A_42] {strides = array<i32>} : memref<640xf32, #tpu.memory_space<vmem>>, vector<16xf32>,
      %add3A_44 = arith.addf %get3A_41, %get3A_43 : vector<16xf32>
      %swap3A_45 = arith.constant 64 : index
      %swap3A_46 = tpu.vector_load %arg7[%swap3A_45] {strides = array<i32>} : memref<640xf32, #tpu.memory_space<vmem>>, vector<16xf32>,
      tpu.vector_store %arg7[%swap3A_45], %add3A_44 {strides = array<i32>} : memref<640xf32, #tpu.memory_space<vmem>>, vector<16xf32>,
      %get3A_47 = arith.constant 80 : index
      %get3A_48 = tpu.vector_load %arg7[%get3A_47] {strides = array<i32>} : memref<640xf32, #tpu.memory_space<vmem>>, vector<16xf32>,
      %get3A_49 = arith.constant 80 : index
      %get3A_50 = tpu.vector_load %arg8[%get3A_49] {strides = array<i32>} : memref<640xf32, #tpu.memory_space<vmem>>, vector<16xf32>,
      %add3A_51 = arith.addf %get3A_48, %get3A_50 : vector<16xf32>
      %swap3A_52 = arith.constant 80 : index
      %swap3A_53 = tpu.vector_load %arg7[%swap3A_52] {strides = array<i32>} : memref<640xf32, #tpu.memory_space<vmem>>, vector<16xf32>,
      tpu.vector_store %arg7[%swap3A_52], %add3A_51 {strides = array<i32>} : memref<640xf32, #tpu.memory_space<vmem>>, vector<16xf32>,
      %get3A_54 = arith.constant 96 : index
      %get3A_55 = tpu.vector_load %arg7[%get3A_54] {strides = array<i32>} : memref<640xf32, #tpu.memory_space<vmem>>, vector<16xf32>,
      %get3A_56 = arith.constant 96 : index
      %get3A_57 = tpu.vector_load %arg8[%get3A_56] {strides = array<i32>} : memref<640xf32, #tpu.memory_space<vmem>>, vector<16xf32>,
      %add3A_58 = arith.addf %get3A_55, %get3A_57 : vector<16xf32>
      %swap3A_59 = arith.constant 96 : index
      %swap3A_60 = tpu.vector_load %arg7[%swap3A_59] {strides = array<i32>} : memref<640xf32, #tpu.memory_space<vmem>>, vector<16xf32>,
      tpu.vector_store %arg7[%swap3A_59], %add3A_58 {strides = array<i32>} : memref<640xf32, #tpu.memory_space<vmem>>, vector<16xf32>,
      %get3A_61 = arith.constant 112 : index
      %get3A_62 = tpu.vector_load %arg7[%get3A_61] {strides = array<i32>} : memref<640xf32, #tpu.memory_space<vmem>>, vector<16xf32>,
      %get3A_63 = arith.constant 112 : index
      %get3A_64 = tpu.vector_load %arg8[%get3A_63] {strides = array<i32>} : memref<640xf32, #tpu.memory_space<vmem>>, vector<16xf32>,
      %add3A_65 = arith.addf %get3A_62, %get3A_64 : vector<16xf32>
      %swap3A_66 = arith.constant 112 : index
      %swap3A_67 = tpu.vector_load %arg7[%swap3A_66] {strides = array<i32>} : memref<640xf32, #tpu.memory_space<vmem>>, vector<16xf32>,
      tpu.vector_store %arg7[%swap3A_66], %add3A_65 {strides = array<i32>} : memref<640xf32, #tpu.memory_space<vmem>>, vector<16xf32>,
      %get3A_68 = arith.constant 128 : index
      %get3A_69 = tpu.vector_load %arg7[%get3A_68] {strides = array<i32>} : memref<640xf32, #tpu.memory_space<vmem>>, vector<16xf32>,
      %get3A_70 = arith.constant 128 : index
      %get3A_71 = tpu.vector_load %arg8[%get3A_70] {strides = array<i32>} : memref<640xf32, #tpu.memory_space<vmem>>, vector<16xf32>,
      %add3A_72 = arith.addf %get3A_69, %get3A_71 : vector<16xf32>
      %swap3A_73 = arith.constant 128 : index
      %swap3A_74 = tpu.vector_load %arg7[%swap3A_73] {strides = array<i32>} : memref<640xf32, #tpu.memory_space<vmem>>, vector<16xf32>,
      tpu.vector_store %arg7[%swap3A_73], %add3A_72 {strides = array<i32>} : memref<640xf32, #tpu.memory_space<vmem>>, vector<16xf32>,
      %get3A_75 = arith.constant 144 : index
      %get3A_76 = tpu.vector_load %arg7[%get3A_75] {strides = array<i32>} : memref<640xf32, #tpu.memory_space<vmem>>, vector<16xf32>,
      %get3A_77 = arith.constant 144 : index
      %get3A_78 = tpu.vector_load %arg8[%get3A_77] {strides = array<i32>} : memref<640xf32, #tpu.memory_space<vmem>>, vector<16xf32>,
      %add3A_79 = arith.addf %get3A_76, %get3A_78 : vector<16xf32>
      %swap3A_80 = arith.constant 144 : index
      %swap3A_81 = tpu.vector_load %arg7[%swap3A_80] {strides = array<i32>} : memref<640xf32, #tpu.memory_space<vmem>>, vector<16xf32>,
      tpu.vector_store %arg7[%swap3A_80], %add3A_79 {strides = array<i32>} : memref<640xf32, #tpu.memory_space<vmem>>, vector<16xf32>,
      %get3A_82 = arith.constant 160 : index
      %get3A_83 = tpu.vector_load %arg7[%get3A_82] {strides = array<i32>} : memref<640xf32, #tpu.memory_space<vmem>>, vector<16xf32>,
      %get3A_84 = arith.constant 160 : index
      %get3A_85 = tpu.vector_load %arg8[%get3A_84] {strides = array<i32>} : memref<640xf32, #tpu.memory_space<vmem>>, vector<16xf32>,
      %add3A_86 = arith.addf %get3A_83, %get3A_85 : vector<16xf32>
      %swap3A_87 = arith.constant 160 : index
      %swap3A_88 = tpu.vector_load %arg7[%swap3A_87] {strides = array<i32>} : memref<640xf32, #tpu.memory_space<vmem>>, vector<16xf32>,
      tpu.vector_store %arg7[%swap3A_87], %add3A_86 {strides = array<i32>} : memref<640xf32, #tpu.memory_space<vmem>>, vector<16xf32>,
      %get3A_89 = arith.constant 176 : index
      %get3A_90 = tpu.vector_load %arg7[%get3A_89] {strides = array<i32>} : memref<640xf32, #tpu.memory_space<vmem>>, vector<16xf32>,
      %get3A_91 = arith.constant 176 : index
      %get3A_92 = tpu.vector_load %arg8[%get3A_91] {strides = array<i32>} : memref<640xf32, #tpu.memory_space<vmem>>, vector<16xf32>,
      %add3A_93 = arith.addf %get3A_90, %get3A_92 : vector<16xf32>
      %swap3A_94 = arith.constant 176 : index
      %swap3A_95 = tpu.vector_load %arg7[%swap3A_94] {strides = array<i32>} : memref<640xf32, #tpu.memory_space<vmem>>, vector<16xf32>,
      tpu.vector_store %arg7[%swap3A_94], %add3A_93 {strides = array<i32>} : memref<640xf32, #tpu.memory_space<vmem>>, vector<16xf32>,
      %get3A_96 = arith.constant 192 : index
      %get3A_97 = tpu.vector_load %arg7[%get3A_96] {strides = array<i32>} : memref<640xf32, #tpu.memory_space<vmem>>, vector<16xf32>,
      %get3A_98 = arith.constant 192 : index
      %get3A_99 = tpu.vector_load %arg8[%get3A_98] {strides = array<i32>} : memref<640xf32, #tpu.memory_space<vmem>>, vector<16xf32>,
      %add3A_100 = arith.addf %get3A_97, %get3A_99 : vector<16xf32>
      %swap3A_101 = arith.constant 192 : index
      %swap3A_102 = tpu.vector_load %arg7[%swap3A_101] {strides = array<i32>} : memref<640xf32, #tpu.memory_space<vmem>>, vector<16xf32>,
      tpu.vector_store %arg7[%swap3A_101], %add3A_100 {strides = array<i32>} : memref<640xf32, #tpu.memory_space<vmem>>, vector<16xf32>,
      %get3A_103 = arith.constant 208 : index
      %get3A_104 = tpu.vector_load %arg7[%get3A_103] {strides = array<i32>} : memref<640xf32, #tpu.memory_space<vmem>>, vector<16xf32>,
      %get3A_105 = arith.constant 208 : index
      %get3A_106 = tpu.vector_load %arg8[%get3A_105] {strides = array<i32>} : memref<640xf32, #tpu.memory_space<vmem>>, vector<16xf32>,
      %add3A_107 = arith.addf %get3A_104, %get3A_106 : vector<16xf32>
      %swap3A_108 = arith.constant 208 : index
      %swap3A_109 = tpu.vector_load %arg7[%swap3A_108] {strides = array<i32>} : memref<640xf32, #tpu.memory_space<vmem>>, vector<16xf32>,
      tpu.vector_store %arg7[%swap3A_108], %add3A_107 {strides = array<i32>} : memref<640xf32, #tpu.memory_space<vmem>>, vector<16xf32>,
      %get3A_110 = arith.constant 224 : index
      %get3A_111 = tpu.vector_load %arg7[%get3A_110] {strides = array<i32>} : memref<640xf32, #tpu.memory_space<vmem>>, vector<16xf32>,
      %get3A_112 = arith.constant 224 : index
      %get3A_113 = tpu.vector_load %arg8[%get3A_112] {strides = array<i32>} : memref<640xf32, #tpu.memory_space<vmem>>, vector<16xf32>,
      %add3A_114 = arith.addf %get3A_111, %get3A_113 : vector<16xf32>
      %swap3A_115 = arith.constant 224 : index
      %swap3A_116 = tpu.vector_load %arg7[%swap3A_115] {strides = array<i32>} : memref<640xf32, #tpu.memory_space<vmem>>, vector<16xf32>,
      tpu.vector_store %arg7[%swap3A_115], %add3A_114 {strides = array<i32>} : memref<640xf32, #tpu.memory_space<vmem>>, vector<16xf32>,
      %get3A_117 = arith.constant 240 : index
      %get3A_118 = tpu.vector_load %arg7[%get3A_117] {strides = array<i32>} : memref<640xf32, #tpu.memory_space<vmem>>, vector<16xf32>,
      %get3A_119 = arith.constant 240 : index
      %get3A_120 = tpu.vector_load %arg8[%get3A_119] {strides = array<i32>} : memref<640xf32, #tpu.memory_space<vmem>>, vector<16xf32>,
      %add3A_121 = arith.addf %get3A_118, %get3A_120 : vector<16xf32>
      %swap3A_122 = arith.constant 240 : index
      %swap3A_123 = tpu.vector_load %arg7[%swap3A_122] {strides = array<i32>} : memref<640xf32, #tpu.memory_space<vmem>>, vector<16xf32>,
      tpu.vector_store %arg7[%swap3A_122], %add3A_121 {strides = array<i32>} : memref<640xf32, #tpu.memory_space<vmem>>, vector<16xf32>,
      %get3A_124 = arith.constant 256 : index
      %get3A_125 = tpu.vector_load %arg7[%get3A_124] {strides = array<i32>} : memref<640xf32, #tpu.memory_space<vmem>>, vector<16xf32>,
      %get3A_126 = arith.constant 256 : index
      %get3A_127 = tpu.vector_load %arg8[%get3A_126] {strides = array<i32>} : memref<640xf32, #tpu.memory_space<vmem>>, vector<16xf32>,
      %add3A_128 = arith.addf %get3A_125, %get3A_127 : vector<16xf32>
      %swap3A_129 = arith.constant 256 : index
      %swap3A_130 = tpu.vector_load %arg7[%swap3A_129] {strides = array<i32>} : memref<640xf32, #tpu.memory_space<vmem>>, vector<16xf32>,
      tpu.vector_store %arg7[%swap3A_129], %add3A_128 {strides = array<i32>} : memref<640xf32, #tpu.memory_space<vmem>>, vector<16xf32>,
      %get3A_131 = arith.constant 272 : index
      %get3A_132 = tpu.vector_load %arg7[%get3A_131] {strides = array<i32>} : memref<640xf32, #tpu.memory_space<vmem>>, vector<16xf32>,
      %get3A_133 = arith.constant 272 : index
      %get3A_134 = tpu.vector_load %arg8[%get3A_133] {strides = array<i32>} : memref<640xf32, #tpu.memory_space<vmem>>, vector<16xf32>,
      %add3A_135 = arith.addf %get3A_132, %get3A_134 : vector<16xf32>
      %swap3A_136 = arith.constant 272 : index
      %swap3A_137 = tpu.vector_load %arg7[%swap3A_136] {strides = array<i32>} : memref<640xf32, #tpu.memory_space<vmem>>, vector<16xf32>,
      tpu.vector_store %arg7[%swap3A_136], %add3A_135 {strides = array<i32>} : memref<640xf32, #tpu.memory_space<vmem>>, vector<16xf32>,
      %get3A_138 = arith.constant 288 : index
      %get3A_139 = tpu.vector_load %arg7[%get3A_138] {strides = array<i32>} : memref<640xf32, #tpu.memory_space<vmem>>, vector<16xf32>,
      %get3A_140 = arith.constant 288 : index
      %get3A_141 = tpu.vector_load %arg8[%get3A_140] {strides = array<i32>} : memref<640xf32, #tpu.memory_space<vmem>>, vector<16xf32>,
      %add3A_142 = arith.addf %get3A_139, %get3A_141 : vector<16xf32>
      %swap3A_143 = arith.constant 288 : index
      %swap3A_144 = tpu.vector_load %arg7[%swap3A_143] {strides = array<i32>} : memref<640xf32, #tpu.memory_space<vmem>>, vector<16xf32>,
      tpu.vector_store %arg7[%swap3A_143], %add3A_142 {strides = array<i32>} : memref<640xf32, #tpu.memory_space<vmem>>, vector<16xf32>,
      %get3A_145 = arith.constant 304 : index
      %get3A_146 = tpu.vector_load %arg7[%get3A_145] {strides = array<i32>} : memref<640xf32, #tpu.memory_space<vmem>>, vector<16xf32>,
      %get3A_147 = arith.constant 304 : index
      %get3A_148 = tpu.vector_load %arg8[%get3A_147] {strides = array<i32>} : memref<640xf32, #tpu.memory_space<vmem>>, vector<16xf32>,
      %add3A_149 = arith.addf %get3A_146, %get3A_148 : vector<16xf32>
      %swap3A_150 = arith.constant 304 : index
      %swap3A_151 = tpu.vector_load %arg7[%swap3A_150] {strides = array<i32>} : memref<640xf32, #tpu.memory_space<vmem>>, vector<16xf32>,
      tpu.vector_store %arg7[%swap3A_150], %add3A_149 {strides = array<i32>} : memref<640xf32, #tpu.memory_space<vmem>>, vector<16xf32>,
      %get3A_152 = arith.constant 320 : index
      %get3A_153 = tpu.vector_load %arg7[%get3A_152] {strides = array<i32>} : memref<640xf32, #tpu.memory_space<vmem>>, vector<16xf32>,
      %get3A_154 = arith.constant 320 : index
      %get3A_155 = tpu.vector_load %arg8[%get3A_154] {strides = array<i32>} : memref<640xf32, #tpu.memory_space<vmem>>, vector<16xf32>,
      %add3A_156 = arith.addf %get3A_153, %get3A_155 : vector<16xf32>
      %swap3A_157 = arith.constant 320 : index
      %swap3A_158 = tpu.vector_load %arg7[%swap3A_157] {strides = array<i32>} : memref<640xf32, #tpu.memory_space<vmem>>, vector<16xf32>,
      tpu.vector_store %arg7[%swap3A_157], %add3A_156 {strides = array<i32>} : memref<640xf32, #tpu.memory_space<vmem>>, vector<16xf32>,
      %get3A_159 = arith.constant 336 : index
      %get3A_160 = tpu.vector_load %arg7[%get3A_159] {strides = array<i32>} : memref<640xf32, #tpu.memory_space<vmem>>, vector<16xf32>,
      %get3A_161 = arith.constant 336 : index
      %get3A_162 = tpu.vector_load %arg8[%get3A_161] {strides = array<i32>} : memref<640xf32, #tpu.memory_space<vmem>>, vector<16xf32>,
      %add3A_163 = arith.addf %get3A_160, %get3A_162 : vector<16xf32>
      %swap3A_164 = arith.constant 336 : index
      %swap3A_165 = tpu.vector_load %arg7[%swap3A_164] {strides = array<i32>} : memref<640xf32, #tpu.memory_space<vmem>>, vector<16xf32>,
      tpu.vector_store %arg7[%swap3A_164], %add3A_163 {strides = array<i32>} : memref<640xf32, #tpu.memory_space<vmem>>, vector<16xf32>,
      %get3A_166 = arith.constant 352 : index
      %get3A_167 = tpu.vector_load %arg7[%get3A_166] {strides = array<i32>} : memref<640xf32, #tpu.memory_space<vmem>>, vector<16xf32>,
      %get3A_168 = arith.constant 352 : index
      %get3A_169 = tpu.vector_load %arg8[%get3A_168] {strides = array<i32>} : memref<640xf32, #tpu.memory_space<vmem>>, vector<16xf32>,
      %add3A_170 = arith.addf %get3A_167, %get3A_169 : vector<16xf32>
      %swap3A_171 = arith.constant 352 : index
      %swap3A_172 = tpu.vector_load %arg7[%swap3A_171] {strides = array<i32>} : memref<640xf32, #tpu.memory_space<vmem>>, vector<16xf32>,
      tpu.vector_store %arg7[%swap3A_171], %add3A_170 {strides = array<i32>} : memref<640xf32, #tpu.memory_space<vmem>>, vector<16xf32>,
      %get3A_173 = arith.constant 368 : index
      %get3A_174 = tpu.vector_load %arg7[%get3A_173] {strides = array<i32>} : memref<640xf32, #tpu.memory_space<vmem>>, vector<16xf32>,
      %get3A_175 = arith.constant 368 : index
      %get3A_176 = tpu.vector_load %arg8[%get3A_175] {strides = array<i32>} : memref<640xf32, #tpu.memory_space<vmem>>, vector<16xf32>,
      %add3A_177 = arith.addf %get3A_174, %get3A_176 : vector<16xf32>
      %swap3A_178 = arith.constant 368 : index
      %swap3A_179 = tpu.vector_load %arg7[%swap3A_178] {strides = array<i32>} : memref<640xf32, #tpu.memory_space<vmem>>, vector<16xf32>,
      tpu.vector_store %arg7[%swap3A_178], %add3A_177 {strides = array<i32>} : memref<640xf32, #tpu.memory_space<vmem>>, vector<16xf32>,
      %get3A_180 = arith.constant 384 : index
      %get3A_181 = tpu.vector_load %arg7[%get3A_180] {strides = array<i32>} : memref<640xf32, #tpu.memory_space<vmem>>, vector<16xf32>,
      %get3A_182 = arith.constant 384 : index
      %get3A_183 = tpu.vector_load %arg8[%get3A_182] {strides = array<i32>} : memref<640xf32, #tpu.memory_space<vmem>>, vector<16xf32>,
      %add3A_184 = arith.addf %get3A_181, %get3A_183 : vector<16xf32>
      %swap3A_185 = arith.constant 384 : index
      %swap3A_186 = tpu.vector_load %arg7[%swap3A_185] {strides = array<i32>} : memref<640xf32, #tpu.memory_space<vmem>>, vector<16xf32>,
      tpu.vector_store %arg7[%swap3A_185], %add3A_184 {strides = array<i32>} : memref<640xf32, #tpu.memory_space<vmem>>, vector<16xf32>,
      %get3A_187 = arith.constant 400 : index
      %get3A_188 = tpu.vector_load %arg7[%get3A_187] {strides = array<i32>} : memref<640xf32, #tpu.memory_space<vmem>>, vector<16xf32>,
      %get3A_189 = arith.constant 400 : index
      %get3A_190 = tpu.vector_load %arg8[%get3A_189] {strides = array<i32>} : memref<640xf32, #tpu.memory_space<vmem>>, vector<16xf32>,
      %add3A_191 = arith.addf %get3A_188, %get3A_190 : vector<16xf32>
      %swap3A_192 = arith.constant 400 : index
      %swap3A_193 = tpu.vector_load %arg7[%swap3A_192] {strides = array<i32>} : memref<640xf32, #tpu.memory_space<vmem>>, vector<16xf32>,
      tpu.vector_store %arg7[%swap3A_192], %add3A_191 {strides = array<i32>} : memref<640xf32, #tpu.memory_space<vmem>>, vector<16xf32>,
      %get3A_194 = arith.constant 416 : index
      %get3A_195 = tpu.vector_load %arg7[%get3A_194] {strides = array<i32>} : memref<640xf32, #tpu.memory_space<vmem>>, vector<16xf32>,
      %get3A_196 = arith.constant 416 : index
      %get3A_197 = tpu.vector_load %arg8[%get3A_196] {strides = array<i32>} : memref<640xf32, #tpu.memory_space<vmem>>, vector<16xf32>,
      %add3A_198 = arith.addf %get3A_195, %get3A_197 : vector<16xf32>
      %swap3A_199 = arith.constant 416 : index
      %swap3A_200 = tpu.vector_load %arg7[%swap3A_199] {strides = array<i32>} : memref<640xf32, #tpu.memory_space<vmem>>, vector<16xf32>,
      tpu.vector_store %arg7[%swap3A_199], %add3A_198 {strides = array<i32>} : memref<640xf32, #tpu.memory_space<vmem>>, vector<16xf32>,
      %get3A_201 = arith.constant 432 : index
      %get3A_202 = tpu.vector_load %arg7[%get3A_201] {strides = array<i32>} : memref<640xf32, #tpu.memory_space<vmem>>, vector<16xf32>,
      %get3A_203 = arith.constant 432 : index
      %get3A_204 = tpu.vector_load %arg8[%get3A_203] {strides = array<i32>} : memref<640xf32, #tpu.memory_space<vmem>>, vector<16xf32>,
      %add3A_205 = arith.addf %get3A_202, %get3A_204 : vector<16xf32>
      %swap3A_206 = arith.constant 432 : index
      %swap3A_207 = tpu.vector_load %arg7[%swap3A_206] {strides = array<i32>} : memref<640xf32, #tpu.memory_space<vmem>>, vector<16xf32>,
      tpu.vector_store %arg7[%swap3A_206], %add3A_205 {strides = array<i32>} : memref<640xf32, #tpu.memory_space<vmem>>, vector<16xf32>,
      %get3A_208 = arith.constant 448 : index
      %get3A_209 = tpu.vector_load %arg7[%get3A_208] {strides = array<i32>} : memref<640xf32, #tpu.memory_space<vmem>>, vector<16xf32>,
      %get3A_210 = arith.constant 448 : index
      %get3A_211 = tpu.vector_load %arg8[%get3A_210] {strides = array<i32>} : memref<640xf32, #tpu.memory_space<vmem>>, vector<16xf32>,
      %add3A_212 = arith.addf %get3A_209, %get3A_211 : vector<16xf32>
      %swap3A_213 = arith.constant 448 : index
      %swap3A_214 = tpu.vector_load %arg7[%swap3A_213] {strides = array<i32>} : memref<640xf32, #tpu.memory_space<vmem>>, vector<16xf32>,
      tpu.vector_store %arg7[%swap3A_213], %add3A_212 {strides = array<i32>} : memref<640xf32, #tpu.memory_space<vmem>>, vector<16xf32>,
      %get3A_215 = arith.constant 464 : index
      %get3A_216 = tpu.vector_load %arg7[%get3A_215] {strides = array<i32>} : memref<640xf32, #tpu.memory_space<vmem>>, vector<16xf32>,
      %get3A_217 = arith.constant 464 : index
      %get3A_218 = tpu.vector_load %arg8[%get3A_217] {strides = array<i32>} : memref<640xf32, #tpu.memory_space<vmem>>, vector<16xf32>,
      %add3A_219 = arith.addf %get3A_216, %get3A_218 : vector<16xf32>
      %swap3A_220 = arith.constant 464 : index
      %swap3A_221 = tpu.vector_load %arg7[%swap3A_220] {strides = array<i32>} : memref<640xf32, #tpu.memory_space<vmem>>, vector<16xf32>,
      tpu.vector_store %arg7[%swap3A_220], %add3A_219 {strides = array<i32>} : memref<640xf32, #tpu.memory_space<vmem>>, vector<16xf32>,
      %get3A_222 = arith.constant 480 : index
      %get3A_223 = tpu.vector_load %arg7[%get3A_222] {strides = array<i32>} : memref<640xf32, #tpu.memory_space<vmem>>, vector<16xf32>,
      %get3A_224 = arith.constant 480 : index
      %get3A_225 = tpu.vector_load %arg8[%get3A_224] {strides = array<i32>} : memref<640xf32, #tpu.memory_space<vmem>>, vector<16xf32>,
      %add3A_226 = arith.addf %get3A_223, %get3A_225 : vector<16xf32>
      %swap3A_227 = arith.constant 480 : index
      %swap3A_228 = tpu.vector_load %arg7[%swap3A_227] {strides = array<i32>} : memref<640xf32, #tpu.memory_space<vmem>>, vector<16xf32>,
      tpu.vector_store %arg7[%swap3A_227], %add3A_226 {strides = array<i32>} : memref<640xf32, #tpu.memory_space<vmem>>, vector<16xf32>,
      %get3A_229 = arith.constant 496 : index
      %get3A_230 = tpu.vector_load %arg7[%get3A_229] {strides = array<i32>} : memref<640xf32, #tpu.memory_space<vmem>>, vector<16xf32>,
      %get3A_231 = arith.constant 496 : index
      %get3A_232 = tpu.vector_load %arg8[%get3A_231] {strides = array<i32>} : memref<640xf32, #tpu.memory_space<vmem>>, vector<16xf32>,
      %add3A_233 = arith.addf %get3A_230, %get3A_232 : vector<16xf32>
      %swap3A_234 = arith.constant 496 : index
      %swap3A_235 = tpu.vector_load %arg7[%swap3A_234] {strides = array<i32>} : memref<640xf32, #tpu.memory_space<vmem>>, vector<16xf32>,
      tpu.vector_store %arg7[%swap3A_234], %add3A_233 {strides = array<i32>} : memref<640xf32, #tpu.memory_space<vmem>>, vector<16xf32>,
      %get3A_236 = arith.constant 512 : index
      %get3A_237 = tpu.vector_load %arg7[%get3A_236] {strides = array<i32>} : memref<640xf32, #tpu.memory_space<vmem>>, vector<16xf32>,
      %get3A_238 = arith.constant 512 : index
      %get3A_239 = tpu.vector_load %arg8[%get3A_238] {strides = array<i32>} : memref<640xf32, #tpu.memory_space<vmem>>, vector<16xf32>,
      %add3A_240 = arith.addf %get3A_237, %get3A_239 : vector<16xf32>
      %swap3A_241 = arith.constant 512 : index
      %swap3A_242 = tpu.vector_load %arg7[%swap3A_241] {strides = array<i32>} : memref<640xf32, #tpu.memory_space<vmem>>, vector<16xf32>,
      tpu.vector_store %arg7[%swap3A_241], %add3A_240 {strides = array<i32>} : memref<640xf32, #tpu.memory_space<vmem>>, vector<16xf32>,
      %get3A_243 = arith.constant 528 : index
      %get3A_244 = tpu.vector_load %arg7[%get3A_243] {strides = array<i32>} : memref<640xf32, #tpu.memory_space<vmem>>, vector<16xf32>,
      %get3A_245 = arith.constant 528 : index
      %get3A_246 = tpu.vector_load %arg8[%get3A_245] {strides = array<i32>} : memref<640xf32, #tpu.memory_space<vmem>>, vector<16xf32>,
      %add3A_247 = arith.addf %get3A_244, %get3A_246 : vector<16xf32>
      %swap3A_248 = arith.constant 528 : index
      %swap3A_249 = tpu.vector_load %arg7[%swap3A_248] {strides = array<i32>} : memref<640xf32, #tpu.memory_space<vmem>>, vector<16xf32>,
      tpu.vector_store %arg7[%swap3A_248], %add3A_247 {strides = array<i32>} : memref<640xf32, #tpu.memory_space<vmem>>, vector<16xf32>,
      %get3A_250 = arith.constant 544 : index
      %get3A_251 = tpu.vector_load %arg7[%get3A_250] {strides = array<i32>} : memref<640xf32, #tpu.memory_space<vmem>>, vector<16xf32>,
      %get3A_252 = arith.constant 544 : index
      %get3A_253 = tpu.vector_load %arg8[%get3A_252] {strides = array<i32>} : memref<640xf32, #tpu.memory_space<vmem>>, vector<16xf32>,
      %add3A_254 = arith.addf %get3A_251, %get3A_253 : vector<16xf32>
      %swap3A_255 = arith.constant 544 : index
      %swap3A_256 = tpu.vector_load %arg7[%swap3A_255] {strides = array<i32>} : memref<640xf32, #tpu.memory_space<vmem>>, vector<16xf32>,
      tpu.vector_store %arg7[%swap3A_255], %add3A_254 {strides = array<i32>} : memref<640xf32, #tpu.memory_space<vmem>>, vector<16xf32>,
      %get3A_257 = arith.constant 560 : index
      %get3A_258 = tpu.vector_load %arg7[%get3A_257] {strides = array<i32>} : memref<640xf32, #tpu.memory_space<vmem>>, vector<16xf32>,
      %get3A_259 = arith.constant 560 : index
      %get3A_260 = tpu.vector_load %arg8[%get3A_259] {strides = array<i32>} : memref<640xf32, #tpu.memory_space<vmem>>, vector<16xf32>,
      %add3A_261 = arith.addf %get3A_258, %get3A_260 : vector<16xf32>
      %swap3A_262 = arith.constant 560 : index
      %swap3A_263 = tpu.vector_load %arg7[%swap3A_262] {strides = array<i32>} : memref<640xf32, #tpu.memory_space<vmem>>, vector<16xf32>,
      tpu.vector_store %arg7[%swap3A_262], %add3A_261 {strides = array<i32>} : memref<640xf32, #tpu.memory_space<vmem>>, vector<16xf32>,
      %get3A_264 = arith.constant 576 : index
      %get3A_265 = tpu.vector_load %arg7[%get3A_264] {strides = array<i32>} : memref<640xf32, #tpu.memory_space<vmem>>, vector<16xf32>,
      %get3A_266 = arith.constant 576 : index
      %get3A_267 = tpu.vector_load %arg8[%get3A_266] {strides = array<i32>} : memref<640xf32, #tpu.memory_space<vmem>>, vector<16xf32>,
      %add3A_268 = arith.addf %get3A_265, %get3A_267 : vector<16xf32>
      %swap3A_269 = arith.constant 576 : index
      %swap3A_270 = tpu.vector_load %arg7[%swap3A_269] {strides = array<i32>} : memref<640xf32, #tpu.memory_space<vmem>>, vector<16xf32>,
      tpu.vector_store %arg7[%swap3A_269], %add3A_268 {strides = array<i32>} : memref<640xf32, #tpu.memory_space<vmem>>, vector<16xf32>,
      %get3A_271 = arith.constant 592 : index
      %get3A_272 = tpu.vector_load %arg7[%get3A_271] {strides = array<i32>} : memref<640xf32, #tpu.memory_space<vmem>>, vector<16xf32>,
      %get3A_273 = arith.constant 592 : index
      %get3A_274 = tpu.vector_load %arg8[%get3A_273] {strides = array<i32>} : memref<640xf32, #tpu.memory_space<vmem>>, vector<16xf32>,
      %add3A_275 = arith.addf %get3A_272, %get3A_274 : vector<16xf32>
      %swap3A_276 = arith.constant 592 : index
      %swap3A_277 = tpu.vector_load %arg7[%swap3A_276] {strides = array<i32>} : memref<640xf32, #tpu.memory_space<vmem>>, vector<16xf32>,
      tpu.vector_store %arg7[%swap3A_276], %add3A_275 {strides = array<i32>} : memref<640xf32, #tpu.memory_space<vmem>>, vector<16xf32>,
      %get3A_278 = arith.constant 608 : index
      %get3A_279 = tpu.vector_load %arg7[%get3A_278] {strides = array<i32>} : memref<640xf32, #tpu.memory_space<vmem>>, vector<16xf32>,
      %get3A_280 = arith.constant 608 : index
      %get3A_281 = tpu.vector_load %arg8[%get3A_280] {strides = array<i32>} : memref<640xf32, #tpu.memory_space<vmem>>, vector<16xf32>,
      %add3A_282 = arith.addf %get3A_279, %get3A_281 : vector<16xf32>
      %swap3A_283 = arith.constant 608 : index
      %swap3A_284 = tpu.vector_load %arg7[%swap3A_283] {strides = array<i32>} : memref<640xf32, #tpu.memory_space<vmem>>, vector<16xf32>,
      tpu.vector_store %arg7[%swap3A_283], %add3A_282 {strides = array<i32>} : memref<640xf32, #tpu.memory_space<vmem>>, vector<16xf32>,
      %get3A_285 = arith.constant 624 : index
      %get3A_286 = tpu.vector_load %arg7[%get3A_285] {strides = array<i32>} : memref<640xf32, #tpu.memory_space<vmem>>, vector<16xf32>,
      %get3A_287 = arith.constant 624 : index
      %get3A_288 = tpu.vector_load %arg8[%get3A_287] {strides = array<i32>} : memref<640xf32, #tpu.memory_space<vmem>>, vector<16xf32>,
      %add3A_289 = arith.addf %get3A_286, %get3A_288 : vector<16xf32>
      %swap3A_290 = arith.constant 624 : index
      %swap3A_291 = tpu.vector_load %arg7[%swap3A_290] {strides = array<i32>} : memref<640xf32, #tpu.memory_space<vmem>>, vector<16xf32>,
      tpu.vector_store %arg7[%swap3A_290], %add3A_289 {strides = array<i32>} : memref<640xf32, #tpu.memory_space<vmem>>, vector<16xf32>,
    }
    %scan3A_12 = arith.constant 15 : i32
    %run_scoped3A_13 = arith.constant 0 : i32
    "tpu.region"() ({
      %run_scoped3A_14 = tpu.sem_alloc : memref<!tpu.dma_semaphore, #tpu.memory_space<semaphore_mem>>
      %dma_start3A = tpu.memref_slice %arg4[%arg0, %run_scoped3A_13, %mul3A_0] : memref<2x1x10240xf32, #tpu.memory_space<hbm>> -> memref<1x1x640xf32, #tpu.memory_space<hbm>>
      %dma_start3A_15 = tpu.memref_squeeze %dma_start3A : memref<1x1x640xf32, #tpu.memory_space<hbm>> -> memref<640xf32, #tpu.memory_space<hbm>>
      %dma_start3A_16 = tpu.memref_slice %arg4[%arg0, %run_scoped3A_13, %mul3A_0] : memref<2x1x10240xf32, #tpu.memory_space<hbm>> -> memref<1x1x640xf32, #tpu.memory_space<hbm>>
      %dma_start3A_17 = tpu.memref_squeeze %dma_start3A_16 : memref<1x1x640xf32, #tpu.memory_space<hbm>> -> memref<640xf32, #tpu.memory_space<hbm>>
      tpu.enqueue_dma source(%arg7 : memref<640xf32, #tpu.memory_space<vmem>>) target(%dma_start3A_17 : memref<640xf32, #tpu.memory_space<hbm>>) target_semaphore(%run_scoped3A_14 : memref<!tpu.dma_semaphore, #tpu.memory_space<semaphore_mem>>)
      %dma_wait3A = tpu.memref_slice %arg4[%arg0, %run_scoped3A_13, %mul3A_0] : memref<2x1x10240xf32, #tpu.memory_space<hbm>> -> memref<1x1x640xf32, #tpu.memory_space<hbm>>
      %dma_wait3A_18 = tpu.memref_squeeze %dma_wait3A : memref<1x1x640xf32, #tpu.memory_space<hbm>> -> memref<640xf32, #tpu.memory_space<hbm>>
      %dma_wait3A_19 = tpu.memref_slice %arg4[%arg0, %run_scoped3A_13, %mul3A_0] : memref<2x1x10240xf32, #tpu.memory_space<hbm>> -> memref<1x1x640xf32, #tpu.memory_space<hbm>>
      %dma_wait3A_20 = tpu.memref_squeeze %dma_wait3A_19 : memref<1x1x640xf32, #tpu.memory_space<hbm>> -> memref<640xf32, #tpu.memory_space<hbm>>
      tpu.wait_dma2 semaphore(%run_scoped3A_14 : memref<!tpu.dma_semaphore, #tpu.memory_space<semaphore_mem>>) src(%arg7 : memref<640xf32, #tpu.memory_space<vmem>>) dst(%dma_wait3A_20 : memref<640xf32, #tpu.memory_space<hbm>>)
      tpu.yield
    }) : () -> ()
    return
  }
}

#map = affine_map<(d0, d1) -> (0, 0)>
#map1 = affine_map<(d0, d1) -> (0, 0, 0, 0)>
#map2 = affine_map<(d0, d1) -> (0, 0, 0)>
module attributes {stable_mosaic.version = 14 : i64} {
  func.func @_agg_body(%arg0: i32, %arg1: i32, %arg2: memref<10000x128xf32, #tpu.memory_space<hbm>>, %arg3: memref<2x16x79x128xi32, #tpu.memory_space<hbm>>, %arg4: memref<2x16x79x128xi32, #tpu.memory_space<hbm>>, %arg5: memref<640x128xf32, #tpu.memory_space<hbm>>, %arg6: memref<2x10240x128xf32, #tpu.memory_space<hbm>>, %arg7: memref<10240x128xf32, #tpu.memory_space<vmem_shared>>, %arg8: memref<128x128xf32, #tpu.memory_space<vmem>>, %arg9: memref<128xi32, #tpu.memory_space<vmem>>, %arg10: memref<128xi32, #tpu.memory_space<vmem>>, %arg11: memref<!tpu.dma_semaphore, #tpu.memory_space<semaphore_mem>>) attributes {dimension_semantics = [#tpu.dimension_semantics<core_parallel>, #tpu.dimension_semantics<subcore_parallel>], iteration_bounds = array<i64: 2, 16>, scalar_prefetch = 0 : i64, scratch_operands = 5 : i64, tpu.core_type = #tpu.core_type<sc_vector_subcore>, window_params = [{transform_indices = #map}, {transform_indices = #map1}, {transform_indices = #map1}, {transform_indices = #map}, {transform_indices = #map2}]} {
    %mul3A = arith.constant 640 : i32
    %mul3A_0 = arith.muli %arg1, %mul3A : i32
    "tpu.region"() ({
      %run_scoped3A = tpu.sem_alloc : memref<!tpu.dma_semaphore, #tpu.memory_space<semaphore_mem>>
      %dma_start3A = arith.constant 0 : i32
      %dma_start3A_7 = tpu.memref_slice %arg7[%mul3A_0, %dma_start3A] : memref<10240x128xf32, #tpu.memory_space<vmem_shared>> -> memref<640x128xf32, #tpu.memory_space<vmem_shared>>
      tpu.enqueue_dma source(%arg5 : memref<640x128xf32, #tpu.memory_space<hbm>>) target(%dma_start3A_7 : memref<640x128xf32, #tpu.memory_space<vmem_shared>>) target_semaphore(%run_scoped3A : memref<!tpu.dma_semaphore, #tpu.memory_space<semaphore_mem>>)
      %dma_wait3A = arith.constant 0 : i32
      %dma_wait3A_8 = tpu.memref_slice %arg7[%mul3A_0, %dma_wait3A] : memref<10240x128xf32, #tpu.memory_space<vmem_shared>> -> memref<640x128xf32, #tpu.memory_space<vmem_shared>>
      tpu.wait_dma2 semaphore(%run_scoped3A : memref<!tpu.dma_semaphore, #tpu.memory_space<semaphore_mem>>) src(%arg5 : memref<640x128xf32, #tpu.memory_space<hbm>>) dst(%dma_wait3A_8 : memref<640x128xf32, #tpu.memory_space<vmem_shared>>)
      tpu.yield
    }) : () -> ()
    %barrier3A = arith.constant 0 : index
    tpu.barrier barrier_id(%barrier3A)
    %scan3A = arith.constant 0 : i32
    %scan3A_1 = arith.constant 0 : i32
    %scan3A_2 = arith.constant 79 : i32
    %scan3A_3 = arith.addi %scan3A_1, %scan3A_2 : i32
    %scan3A_4 = arith.constant 1 : i32
    scf.for %scan3A_7 = %scan3A_1 to %scan3A_3 step %scan3A_4  : i32 {
      "tpu.region"() ({
        %run_scoped3A = tpu.sem_alloc : memref<!tpu.dma_semaphore, #tpu.memory_space<semaphore_mem>>
        %dma_start3A_12 = arith.constant 0 : i32
        %dma_start3A_13 = tpu.memref_slice %arg3[%arg0, %arg1, %scan3A_7, %dma_start3A_12] : memref<2x16x79x128xi32, #tpu.memory_space<hbm>> -> memref<1x1x1x128xi32, #tpu.memory_space<hbm>>
        %dma_start3A_14 = tpu.memref_squeeze %dma_start3A_13 : memref<1x1x1x128xi32, #tpu.memory_space<hbm>> -> memref<128xi32, #tpu.memory_space<hbm>>
        %dma_start3A_15 = arith.constant 0 : i32
        %dma_start3A_16 = tpu.memref_slice %arg3[%arg0, %arg1, %scan3A_7, %dma_start3A_15] : memref<2x16x79x128xi32, #tpu.memory_space<hbm>> -> memref<1x1x1x128xi32, #tpu.memory_space<hbm>>
        %dma_start3A_17 = tpu.memref_squeeze %dma_start3A_16 : memref<1x1x1x128xi32, #tpu.memory_space<hbm>> -> memref<128xi32, #tpu.memory_space<hbm>>
        tpu.enqueue_dma source(%dma_start3A_17 : memref<128xi32, #tpu.memory_space<hbm>>) target(%arg9 : memref<128xi32, #tpu.memory_space<vmem>>) target_semaphore(%run_scoped3A : memref<!tpu.dma_semaphore, #tpu.memory_space<semaphore_mem>>)
        %dma_wait3A_18 = arith.constant 0 : i32
        %dma_wait3A_19 = tpu.memref_slice %arg3[%arg0, %arg1, %scan3A_7, %dma_wait3A_18] : memref<2x16x79x128xi32, #tpu.memory_space<hbm>> -> memref<1x1x1x128xi32, #tpu.memory_space<hbm>>
        %dma_wait3A_20 = tpu.memref_squeeze %dma_wait3A_19 : memref<1x1x1x128xi32, #tpu.memory_space<hbm>> -> memref<128xi32, #tpu.memory_space<hbm>>
        %dma_wait3A_21 = arith.constant 0 : i32
        %dma_wait3A_22 = tpu.memref_slice %arg3[%arg0, %arg1, %scan3A_7, %dma_wait3A_21] : memref<2x16x79x128xi32, #tpu.memory_space<hbm>> -> memref<1x1x1x128xi32, #tpu.memory_space<hbm>>
        %dma_wait3A_23 = tpu.memref_squeeze %dma_wait3A_22 : memref<1x1x1x128xi32, #tpu.memory_space<hbm>> -> memref<128xi32, #tpu.memory_space<hbm>>
        tpu.wait_dma2 semaphore(%run_scoped3A : memref<!tpu.dma_semaphore, #tpu.memory_space<semaphore_mem>>) src(%dma_wait3A_23 : memref<128xi32, #tpu.memory_space<hbm>>) dst(%arg9 : memref<128xi32, #tpu.memory_space<vmem>>)
        tpu.yield
      }) : () -> ()
      "tpu.region"() ({
        %run_scoped3A = tpu.sem_alloc : memref<!tpu.dma_semaphore, #tpu.memory_space<semaphore_mem>>
        %dma_start3A_12 = arith.constant 0 : i32
        %dma_start3A_13 = tpu.memref_slice %arg4[%arg0, %arg1, %scan3A_7, %dma_start3A_12] : memref<2x16x79x128xi32, #tpu.memory_space<hbm>> -> memref<1x1x1x128xi32, #tpu.memory_space<hbm>>
        %dma_start3A_14 = tpu.memref_squeeze %dma_start3A_13 : memref<1x1x1x128xi32, #tpu.memory_space<hbm>> -> memref<128xi32, #tpu.memory_space<hbm>>
        %dma_start3A_15 = arith.constant 0 : i32
        %dma_start3A_16 = tpu.memref_slice %arg4[%arg0, %arg1, %scan3A_7, %dma_start3A_15] : memref<2x16x79x128xi32, #tpu.memory_space<hbm>> -> memref<1x1x1x128xi32, #tpu.memory_space<hbm>>
        %dma_start3A_17 = tpu.memref_squeeze %dma_start3A_16 : memref<1x1x1x128xi32, #tpu.memory_space<hbm>> -> memref<128xi32, #tpu.memory_space<hbm>>
        tpu.enqueue_dma source(%dma_start3A_17 : memref<128xi32, #tpu.memory_space<hbm>>) target(%arg10 : memref<128xi32, #tpu.memory_space<vmem>>) target_semaphore(%run_scoped3A : memref<!tpu.dma_semaphore, #tpu.memory_space<semaphore_mem>>)
        %dma_wait3A_18 = arith.constant 0 : i32
        %dma_wait3A_19 = tpu.memref_slice %arg4[%arg0, %arg1, %scan3A_7, %dma_wait3A_18] : memref<2x16x79x128xi32, #tpu.memory_space<hbm>> -> memref<1x1x1x128xi32, #tpu.memory_space<hbm>>
        %dma_wait3A_20 = tpu.memref_squeeze %dma_wait3A_19 : memref<1x1x1x128xi32, #tpu.memory_space<hbm>> -> memref<128xi32, #tpu.memory_space<hbm>>
        %dma_wait3A_21 = arith.constant 0 : i32
        %dma_wait3A_22 = tpu.memref_slice %arg4[%arg0, %arg1, %scan3A_7, %dma_wait3A_21] : memref<2x16x79x128xi32, #tpu.memory_space<hbm>> -> memref<1x1x1x128xi32, #tpu.memory_space<hbm>>
        %dma_wait3A_23 = tpu.memref_squeeze %dma_wait3A_22 : memref<1x1x1x128xi32, #tpu.memory_space<hbm>> -> memref<128xi32, #tpu.memory_space<hbm>>
        tpu.wait_dma2 semaphore(%run_scoped3A : memref<!tpu.dma_semaphore, #tpu.memory_space<semaphore_mem>>) src(%dma_wait3A_23 : memref<128xi32, #tpu.memory_space<hbm>>) dst(%arg10 : memref<128xi32, #tpu.memory_space<vmem>>)
        tpu.yield
      }) : () -> ()
      %dma_start3A = arith.constant 0 : i32
      %dma_start3A_8 = arith.constant 0 : i32
      %dma_start3A_9 = tpu.memref_slice %arg2[%dma_start3A, %dma_start3A_8] : memref<10000x128xf32, #tpu.memory_space<hbm>> -> memref<10000x128xf32, #tpu.memory_space<hbm>>
      tpu.enqueue_indirect_dma source(%dma_start3A_9 : memref<10000x128xf32, #tpu.memory_space<hbm>>) target(%arg8 : memref<128x128xf32, #tpu.memory_space<vmem>>) offsets(%arg9 : memref<128xi32, #tpu.memory_space<vmem>>) semaphore(%arg11 : memref<!tpu.dma_semaphore, #tpu.memory_space<semaphore_mem>>)
      %dma_wait3A = arith.constant 0 : i32
      %dma_wait3A_10 = arith.constant 0 : i32
      %dma_wait3A_11 = tpu.memref_slice %arg2[%dma_wait3A, %dma_wait3A_10] : memref<10000x128xf32, #tpu.memory_space<hbm>> -> memref<10000x128xf32, #tpu.memory_space<hbm>>
      tpu.wait_indirect_dma semaphore(%arg11 : memref<!tpu.dma_semaphore, #tpu.memory_space<semaphore_mem>>) src(%dma_wait3A_11 : memref<10000x128xf32, #tpu.memory_space<hbm>>) dst(%arg8 : memref<128x128xf32, #tpu.memory_space<vmem>>)
      "tpu.region"() ({
        %run_scoped3A = tpu.sem_alloc : memref<!tpu.dma_semaphore, #tpu.memory_space<semaphore_mem>>
        %dma_start3A_12 = arith.constant 0 : i32
        %dma_start3A_13 = arith.constant 0 : i32
        %dma_start3A_14 = tpu.memref_slice %arg7[%dma_start3A_12, %dma_start3A_13] : memref<10240x128xf32, #tpu.memory_space<vmem_shared>> -> memref<10240x128xf32, #tpu.memory_space<vmem_shared>>
        tpu.enqueue_indirect_dma source(%arg8 : memref<128x128xf32, #tpu.memory_space<vmem>>) target(%dma_start3A_14 : memref<10240x128xf32, #tpu.memory_space<vmem_shared>>) offsets(%arg10 : memref<128xi32, #tpu.memory_space<vmem>>) semaphore(%run_scoped3A : memref<!tpu.dma_semaphore, #tpu.memory_space<semaphore_mem>>) {add = true}
        %dma_wait3A_15 = arith.constant 0 : i32
        %dma_wait3A_16 = arith.constant 0 : i32
        %dma_wait3A_17 = tpu.memref_slice %arg7[%dma_wait3A_15, %dma_wait3A_16] : memref<10240x128xf32, #tpu.memory_space<vmem_shared>> -> memref<10240x128xf32, #tpu.memory_space<vmem_shared>>
        tpu.wait_indirect_dma semaphore(%run_scoped3A : memref<!tpu.dma_semaphore, #tpu.memory_space<semaphore_mem>>) src(%arg8 : memref<128x128xf32, #tpu.memory_space<vmem>>) dst(%dma_wait3A_17 : memref<10240x128xf32, #tpu.memory_space<vmem_shared>>)
        tpu.yield
      }) : () -> ()
    }
    %scan3A_5 = arith.constant 79 : i32
    %barrier3A_6 = arith.constant 0 : index
    tpu.barrier barrier_id(%barrier3A_6)
    "tpu.region"() ({
      %run_scoped3A = tpu.sem_alloc : memref<!tpu.dma_semaphore, #tpu.memory_space<semaphore_mem>>
      %dma_start3A = arith.constant 0 : i32
      %dma_start3A_7 = tpu.memref_slice %arg6[%arg0, %mul3A_0, %dma_start3A] : memref<2x10240x128xf32, #tpu.memory_space<hbm>> -> memref<1x640x128xf32, #tpu.memory_space<hbm>>
      %dma_start3A_8 = tpu.memref_squeeze %dma_start3A_7 : memref<1x640x128xf32, #tpu.memory_space<hbm>> -> memref<640x128xf32, #tpu.memory_space<hbm>>
      %dma_start3A_9 = arith.constant 0 : i32
      %dma_start3A_10 = tpu.memref_slice %arg7[%mul3A_0, %dma_start3A_9] : memref<10240x128xf32, #tpu.memory_space<vmem_shared>> -> memref<640x128xf32, #tpu.memory_space<vmem_shared>>
      tpu.enqueue_dma source(%dma_start3A_10 : memref<640x128xf32, #tpu.memory_space<vmem_shared>>) target(%dma_start3A_8 : memref<640x128xf32, #tpu.memory_space<hbm>>) target_semaphore(%run_scoped3A : memref<!tpu.dma_semaphore, #tpu.memory_space<semaphore_mem>>)
      %dma_wait3A = arith.constant 0 : i32
      %dma_wait3A_11 = tpu.memref_slice %arg6[%arg0, %mul3A_0, %dma_wait3A] : memref<2x10240x128xf32, #tpu.memory_space<hbm>> -> memref<1x640x128xf32, #tpu.memory_space<hbm>>
      %dma_wait3A_12 = tpu.memref_squeeze %dma_wait3A_11 : memref<1x640x128xf32, #tpu.memory_space<hbm>> -> memref<640x128xf32, #tpu.memory_space<hbm>>
      %dma_wait3A_13 = arith.constant 0 : i32
      %dma_wait3A_14 = tpu.memref_slice %arg7[%mul3A_0, %dma_wait3A_13] : memref<10240x128xf32, #tpu.memory_space<vmem_shared>> -> memref<640x128xf32, #tpu.memory_space<vmem_shared>>
      tpu.wait_dma2 semaphore(%run_scoped3A : memref<!tpu.dma_semaphore, #tpu.memory_space<semaphore_mem>>) src(%dma_wait3A_14 : memref<640x128xf32, #tpu.memory_space<vmem_shared>>) dst(%dma_wait3A_12 : memref<640x128xf32, #tpu.memory_space<hbm>>)
      tpu.yield
    }) : () -> ()
    return
  }
}

#map = affine_map<(d0, d1) -> (0, 0)>
#map1 = affine_map<(d0, d1) -> (0, 0, 0, 0)>
#map2 = affine_map<(d0, d1) -> (0, 0, 0)>
module attributes {stable_mosaic.version = 14 : i64} {
  func.func @_agg_body(%arg0: i32, %arg1: i32, %arg2: memref<10000x128xf32, #tpu.memory_space<hbm>>, %arg3: memref<2x16x79x128xi32, #tpu.memory_space<hbm>>, %arg4: memref<2x16x79x128xi32, #tpu.memory_space<hbm>>, %arg5: memref<640x128xf32, #tpu.memory_space<hbm>>, %arg6: memref<2x10240x128xf32, #tpu.memory_space<hbm>>, %arg7: memref<10240x128xf32, #tpu.memory_space<vmem_shared>>, %arg8: memref<128x128xf32, #tpu.memory_space<vmem>>, %arg9: memref<128xi32, #tpu.memory_space<vmem>>, %arg10: memref<128xi32, #tpu.memory_space<vmem>>, %arg11: memref<!tpu.dma_semaphore, #tpu.memory_space<semaphore_mem>>) attributes {dimension_semantics = [#tpu.dimension_semantics<core_parallel>, #tpu.dimension_semantics<subcore_parallel>], iteration_bounds = array<i64: 2, 16>, scalar_prefetch = 0 : i64, scratch_operands = 5 : i64, tpu.core_type = #tpu.core_type<sc_vector_subcore>, window_params = [{transform_indices = #map}, {transform_indices = #map1}, {transform_indices = #map1}, {transform_indices = #map}, {transform_indices = #map2}]} {
    %mul3A = arith.constant 640 : i32
    %mul3A_0 = arith.muli %arg1, %mul3A : i32
    "tpu.region"() ({
      %run_scoped3A = tpu.sem_alloc : memref<!tpu.dma_semaphore, #tpu.memory_space<semaphore_mem>>
      %dma_start3A = arith.constant 0 : i32
      %dma_start3A_7 = tpu.memref_slice %arg7[%mul3A_0, %dma_start3A] : memref<10240x128xf32, #tpu.memory_space<vmem_shared>> -> memref<640x128xf32, #tpu.memory_space<vmem_shared>>
      tpu.enqueue_dma source(%arg5 : memref<640x128xf32, #tpu.memory_space<hbm>>) target(%dma_start3A_7 : memref<640x128xf32, #tpu.memory_space<vmem_shared>>) target_semaphore(%run_scoped3A : memref<!tpu.dma_semaphore, #tpu.memory_space<semaphore_mem>>)
      %dma_wait3A = arith.constant 0 : i32
      %dma_wait3A_8 = tpu.memref_slice %arg7[%mul3A_0, %dma_wait3A] : memref<10240x128xf32, #tpu.memory_space<vmem_shared>> -> memref<640x128xf32, #tpu.memory_space<vmem_shared>>
      tpu.wait_dma2 semaphore(%run_scoped3A : memref<!tpu.dma_semaphore, #tpu.memory_space<semaphore_mem>>) src(%arg5 : memref<640x128xf32, #tpu.memory_space<hbm>>) dst(%dma_wait3A_8 : memref<640x128xf32, #tpu.memory_space<vmem_shared>>)
      tpu.yield
    }) : () -> ()
    %barrier3A = arith.constant 0 : index
    tpu.barrier barrier_id(%barrier3A)
    %scan3A = arith.constant 0 : i32
    %scan3A_1 = arith.constant 0 : i32
    %scan3A_2 = arith.constant 79 : i32
    %scan3A_3 = arith.addi %scan3A_1, %scan3A_2 : i32
    %scan3A_4 = arith.constant 1 : i32
    scf.for %scan3A_7 = %scan3A_1 to %scan3A_3 step %scan3A_4  : i32 {
      "tpu.region"() ({
        %run_scoped3A = tpu.sem_alloc : memref<!tpu.dma_semaphore, #tpu.memory_space<semaphore_mem>>
        %dma_start3A_12 = arith.constant 0 : i32
        %dma_start3A_13 = tpu.memref_slice %arg3[%arg0, %arg1, %scan3A_7, %dma_start3A_12] : memref<2x16x79x128xi32, #tpu.memory_space<hbm>> -> memref<1x1x1x128xi32, #tpu.memory_space<hbm>>
        %dma_start3A_14 = tpu.memref_squeeze %dma_start3A_13 : memref<1x1x1x128xi32, #tpu.memory_space<hbm>> -> memref<128xi32, #tpu.memory_space<hbm>>
        %dma_start3A_15 = arith.constant 0 : i32
        %dma_start3A_16 = tpu.memref_slice %arg3[%arg0, %arg1, %scan3A_7, %dma_start3A_15] : memref<2x16x79x128xi32, #tpu.memory_space<hbm>> -> memref<1x1x1x128xi32, #tpu.memory_space<hbm>>
        %dma_start3A_17 = tpu.memref_squeeze %dma_start3A_16 : memref<1x1x1x128xi32, #tpu.memory_space<hbm>> -> memref<128xi32, #tpu.memory_space<hbm>>
        tpu.enqueue_dma source(%dma_start3A_17 : memref<128xi32, #tpu.memory_space<hbm>>) target(%arg9 : memref<128xi32, #tpu.memory_space<vmem>>) target_semaphore(%run_scoped3A : memref<!tpu.dma_semaphore, #tpu.memory_space<semaphore_mem>>)
        %dma_wait3A_18 = arith.constant 0 : i32
        %dma_wait3A_19 = tpu.memref_slice %arg3[%arg0, %arg1, %scan3A_7, %dma_wait3A_18] : memref<2x16x79x128xi32, #tpu.memory_space<hbm>> -> memref<1x1x1x128xi32, #tpu.memory_space<hbm>>
        %dma_wait3A_20 = tpu.memref_squeeze %dma_wait3A_19 : memref<1x1x1x128xi32, #tpu.memory_space<hbm>> -> memref<128xi32, #tpu.memory_space<hbm>>
        %dma_wait3A_21 = arith.constant 0 : i32
        %dma_wait3A_22 = tpu.memref_slice %arg3[%arg0, %arg1, %scan3A_7, %dma_wait3A_21] : memref<2x16x79x128xi32, #tpu.memory_space<hbm>> -> memref<1x1x1x128xi32, #tpu.memory_space<hbm>>
        %dma_wait3A_23 = tpu.memref_squeeze %dma_wait3A_22 : memref<1x1x1x128xi32, #tpu.memory_space<hbm>> -> memref<128xi32, #tpu.memory_space<hbm>>
        tpu.wait_dma2 semaphore(%run_scoped3A : memref<!tpu.dma_semaphore, #tpu.memory_space<semaphore_mem>>) src(%dma_wait3A_23 : memref<128xi32, #tpu.memory_space<hbm>>) dst(%arg9 : memref<128xi32, #tpu.memory_space<vmem>>)
        tpu.yield
      }) : () -> ()
      "tpu.region"() ({
        %run_scoped3A = tpu.sem_alloc : memref<!tpu.dma_semaphore, #tpu.memory_space<semaphore_mem>>
        %dma_start3A_12 = arith.constant 0 : i32
        %dma_start3A_13 = tpu.memref_slice %arg4[%arg0, %arg1, %scan3A_7, %dma_start3A_12] : memref<2x16x79x128xi32, #tpu.memory_space<hbm>> -> memref<1x1x1x128xi32, #tpu.memory_space<hbm>>
        %dma_start3A_14 = tpu.memref_squeeze %dma_start3A_13 : memref<1x1x1x128xi32, #tpu.memory_space<hbm>> -> memref<128xi32, #tpu.memory_space<hbm>>
        %dma_start3A_15 = arith.constant 0 : i32
        %dma_start3A_16 = tpu.memref_slice %arg4[%arg0, %arg1, %scan3A_7, %dma_start3A_15] : memref<2x16x79x128xi32, #tpu.memory_space<hbm>> -> memref<1x1x1x128xi32, #tpu.memory_space<hbm>>
        %dma_start3A_17 = tpu.memref_squeeze %dma_start3A_16 : memref<1x1x1x128xi32, #tpu.memory_space<hbm>> -> memref<128xi32, #tpu.memory_space<hbm>>
        tpu.enqueue_dma source(%dma_start3A_17 : memref<128xi32, #tpu.memory_space<hbm>>) target(%arg10 : memref<128xi32, #tpu.memory_space<vmem>>) target_semaphore(%run_scoped3A : memref<!tpu.dma_semaphore, #tpu.memory_space<semaphore_mem>>)
        %dma_wait3A_18 = arith.constant 0 : i32
        %dma_wait3A_19 = tpu.memref_slice %arg4[%arg0, %arg1, %scan3A_7, %dma_wait3A_18] : memref<2x16x79x128xi32, #tpu.memory_space<hbm>> -> memref<1x1x1x128xi32, #tpu.memory_space<hbm>>
        %dma_wait3A_20 = tpu.memref_squeeze %dma_wait3A_19 : memref<1x1x1x128xi32, #tpu.memory_space<hbm>> -> memref<128xi32, #tpu.memory_space<hbm>>
        %dma_wait3A_21 = arith.constant 0 : i32
        %dma_wait3A_22 = tpu.memref_slice %arg4[%arg0, %arg1, %scan3A_7, %dma_wait3A_21] : memref<2x16x79x128xi32, #tpu.memory_space<hbm>> -> memref<1x1x1x128xi32, #tpu.memory_space<hbm>>
        %dma_wait3A_23 = tpu.memref_squeeze %dma_wait3A_22 : memref<1x1x1x128xi32, #tpu.memory_space<hbm>> -> memref<128xi32, #tpu.memory_space<hbm>>
        tpu.wait_dma2 semaphore(%run_scoped3A : memref<!tpu.dma_semaphore, #tpu.memory_space<semaphore_mem>>) src(%dma_wait3A_23 : memref<128xi32, #tpu.memory_space<hbm>>) dst(%arg10 : memref<128xi32, #tpu.memory_space<vmem>>)
        tpu.yield
      }) : () -> ()
      %dma_start3A = arith.constant 0 : i32
      %dma_start3A_8 = arith.constant 0 : i32
      %dma_start3A_9 = tpu.memref_slice %arg2[%dma_start3A, %dma_start3A_8] : memref<10000x128xf32, #tpu.memory_space<hbm>> -> memref<10000x128xf32, #tpu.memory_space<hbm>>
      tpu.enqueue_indirect_dma source(%dma_start3A_9 : memref<10000x128xf32, #tpu.memory_space<hbm>>) target(%arg8 : memref<128x128xf32, #tpu.memory_space<vmem>>) offsets(%arg9 : memref<128xi32, #tpu.memory_space<vmem>>) semaphore(%arg11 : memref<!tpu.dma_semaphore, #tpu.memory_space<semaphore_mem>>)
      %dma_wait3A = arith.constant 0 : i32
      %dma_wait3A_10 = arith.constant 0 : i32
      %dma_wait3A_11 = tpu.memref_slice %arg2[%dma_wait3A, %dma_wait3A_10] : memref<10000x128xf32, #tpu.memory_space<hbm>> -> memref<10000x128xf32, #tpu.memory_space<hbm>>
      tpu.wait_indirect_dma semaphore(%arg11 : memref<!tpu.dma_semaphore, #tpu.memory_space<semaphore_mem>>) src(%dma_wait3A_11 : memref<10000x128xf32, #tpu.memory_space<hbm>>) dst(%arg8 : memref<128x128xf32, #tpu.memory_space<vmem>>)
      "tpu.region"() ({
        %run_scoped3A = tpu.sem_alloc : memref<!tpu.dma_semaphore, #tpu.memory_space<semaphore_mem>>
        %dma_start3A_12 = arith.constant 0 : i32
        %dma_start3A_13 = arith.constant 0 : i32
        %dma_start3A_14 = tpu.memref_slice %arg7[%dma_start3A_12, %dma_start3A_13] : memref<10240x128xf32, #tpu.memory_space<vmem_shared>> -> memref<10240x128xf32, #tpu.memory_space<vmem_shared>>
        tpu.enqueue_indirect_dma source(%arg8 : memref<128x128xf32, #tpu.memory_space<vmem>>) target(%dma_start3A_14 : memref<10240x128xf32, #tpu.memory_space<vmem_shared>>) offsets(%arg10 : memref<128xi32, #tpu.memory_space<vmem>>) semaphore(%run_scoped3A : memref<!tpu.dma_semaphore, #tpu.memory_space<semaphore_mem>>) {add = true}
        %dma_wait3A_15 = arith.constant 0 : i32
        %dma_wait3A_16 = arith.constant 0 : i32
        %dma_wait3A_17 = tpu.memref_slice %arg7[%dma_wait3A_15, %dma_wait3A_16] : memref<10240x128xf32, #tpu.memory_space<vmem_shared>> -> memref<10240x128xf32, #tpu.memory_space<vmem_shared>>
        tpu.wait_indirect_dma semaphore(%run_scoped3A : memref<!tpu.dma_semaphore, #tpu.memory_space<semaphore_mem>>) src(%arg8 : memref<128x128xf32, #tpu.memory_space<vmem>>) dst(%dma_wait3A_17 : memref<10240x128xf32, #tpu.memory_space<vmem_shared>>)
        tpu.yield
      }) : () -> ()
    }
    %scan3A_5 = arith.constant 79 : i32
    %barrier3A_6 = arith.constant 0 : index
    tpu.barrier barrier_id(%barrier3A_6)
    "tpu.region"() ({
      %run_scoped3A = tpu.sem_alloc : memref<!tpu.dma_semaphore, #tpu.memory_space<semaphore_mem>>
      %dma_start3A = arith.constant 0 : i32
      %dma_start3A_7 = tpu.memref_slice %arg6[%arg0, %mul3A_0, %dma_start3A] : memref<2x10240x128xf32, #tpu.memory_space<hbm>> -> memref<1x640x128xf32, #tpu.memory_space<hbm>>
      %dma_start3A_8 = tpu.memref_squeeze %dma_start3A_7 : memref<1x640x128xf32, #tpu.memory_space<hbm>> -> memref<640x128xf32, #tpu.memory_space<hbm>>
      %dma_start3A_9 = arith.constant 0 : i32
      %dma_start3A_10 = tpu.memref_slice %arg7[%mul3A_0, %dma_start3A_9] : memref<10240x128xf32, #tpu.memory_space<vmem_shared>> -> memref<640x128xf32, #tpu.memory_space<vmem_shared>>
      tpu.enqueue_dma source(%dma_start3A_10 : memref<640x128xf32, #tpu.memory_space<vmem_shared>>) target(%dma_start3A_8 : memref<640x128xf32, #tpu.memory_space<hbm>>) target_semaphore(%run_scoped3A : memref<!tpu.dma_semaphore, #tpu.memory_space<semaphore_mem>>)
      %dma_wait3A = arith.constant 0 : i32
      %dma_wait3A_11 = tpu.memref_slice %arg6[%arg0, %mul3A_0, %dma_wait3A] : memref<2x10240x128xf32, #tpu.memory_space<hbm>> -> memref<1x640x128xf32, #tpu.memory_space<hbm>>
      %dma_wait3A_12 = tpu.memref_squeeze %dma_wait3A_11 : memref<1x640x128xf32, #tpu.memory_space<hbm>> -> memref<640x128xf32, #tpu.memory_space<hbm>>
      %dma_wait3A_13 = arith.constant 0 : i32
      %dma_wait3A_14 = tpu.memref_slice %arg7[%mul3A_0, %dma_wait3A_13] : memref<10240x128xf32, #tpu.memory_space<vmem_shared>> -> memref<640x128xf32, #tpu.memory_space<vmem_shared>>
      tpu.wait_dma2 semaphore(%run_scoped3A : memref<!tpu.dma_semaphore, #tpu.memory_space<semaphore_mem>>) src(%dma_wait3A_14 : memref<640x128xf32, #tpu.memory_space<vmem_shared>>) dst(%dma_wait3A_12 : memref<640x128xf32, #tpu.memory_space<hbm>>)
      tpu.yield
    }) : () -> ()
    return
  }
}

module attributes {stable_mosaic.version = 14 : i64} {
  func.func @_tc_a_body(%arg0: memref<10000x128xf32, #tpu.memory_space<vmem>>, %arg1: memref<128x128xf32, #tpu.memory_space<vmem>>, %arg2: memref<10000x1xf32, #tpu.memory_space<vmem>>, %arg3: memref<10000x128xf32, #tpu.memory_space<vmem>>) attributes {dimension_semantics = [], scalar_prefetch = 0 : i64, scratch_operands = 0 : i64, tpu.core_type = #tpu.core_type<tc>} {
    %get3A = arith.constant 0 : index
    %get3A_0 = arith.constant 0 : index
    %get3A_1 = vector.load %arg2[%get3A, %get3A_0] : memref<10000x1xf32, #tpu.memory_space<vmem>>, vector<10000x1xf32>
    %gt3A = arith.constant 0.000000e+00 : f32
    %gt3A_2 = vector.broadcast %gt3A : f32 to vector<10000x1xf32>
    %gt3A_3 = arith.cmpf ogt, %get3A_1, %gt3A_2 : vector<10000x1xf32>
    %max3A = arith.constant 1.000000e+00 : f32
    %max3A_4 = vector.broadcast %max3A : f32 to vector<10000x1xf32>
    %max3A_5 = arith.maximumf %get3A_1, %max3A_4 : vector<10000x1xf32>
    %rsqrt3A = math.rsqrt %max3A_5 : vector<10000x1xf32>
    %jit3A = arith.constant 0.000000e+00 : f32
    %broadcast_in_dim3A = vector.broadcast %jit3A : f32 to vector<10000x1xf32>
    %select_n3A = arith.select %gt3A_3, %rsqrt3A, %broadcast_in_dim3A : vector<10000x1xi1>, vector<10000x1xf32>
    %get3A_6 = arith.constant 0 : index
    %get3A_7 = arith.constant 0 : index
    %get3A_8 = vector.load %arg0[%get3A_6, %get3A_7] : memref<10000x128xf32, #tpu.memory_space<vmem>>, vector<10000x128xf32>
    %get3A_9 = arith.constant 0 : index
    %get3A_10 = arith.constant 0 : index
    %get3A_11 = vector.load %arg1[%get3A_9, %get3A_10] : memref<128x128xf32, #tpu.memory_space<vmem>>, vector<128x128xf32>
    %dot_general3A = arith.constant dense<0.000000e+00> : vector<10000x128xf32>
    %dot_general3A_12 = tpu.matmul %get3A_8, %get3A_11, %dot_general3A {dimension_numbers = #tpu.dot_dimension_numbers<[1], [1], [0], [0], [0, 0, 1, 0], [], []>, transpose_lhs_hint = false} : vector<10000x128xf32>, vector<128x128xf32>, vector<10000x128xf32> -> vector<10000x128xf32>
    %mul3A = vector.broadcast %select_n3A : vector<10000x1xf32> to vector<10000x128xf32>
    %mul3A_13 = arith.mulf %dot_general3A_12, %mul3A : vector<10000x128xf32>
    %swap3A = arith.constant 0 : index
    %swap3A_14 = arith.constant 0 : index
    %swap3A_15 = vector.load %arg3[%swap3A, %swap3A_14] : memref<10000x128xf32, #tpu.memory_space<vmem>>, vector<10000x128xf32>
    tpu.vector_store %arg3[%swap3A, %swap3A_14], %mul3A_13 {strides = array<i32>} : memref<10000x128xf32, #tpu.memory_space<vmem>>, vector<10000x128xf32>,
    return
  }
}

module attributes {stable_mosaic.version = 14 : i64} {
  func.func @_tc_b_body(%arg0: memref<2x10240x128xf32, #tpu.memory_space<vmem>>, %arg1: memref<10000x1xf32, #tpu.memory_space<vmem>>, %arg2: memref<10000x1xf32, #tpu.memory_space<vmem>>, %arg3: memref<128x128xf32, #tpu.memory_space<vmem>>, %arg4: memref<1x128xf32, #tpu.memory_space<vmem>>, %arg5: memref<1x128xf32, #tpu.memory_space<vmem>>, %arg6: memref<1x128xf32, #tpu.memory_space<vmem>>, %arg7: memref<10000x128xf32, #tpu.memory_space<vmem>>) attributes {dimension_semantics = [], scalar_prefetch = 0 : i64, scratch_operands = 0 : i64, tpu.core_type = #tpu.core_type<tc>} {
    %get3A = arith.constant 0 : index
    %get3A_0 = arith.constant 0 : index
    %get3A_1 = arith.constant 0 : index
    %get3A_2 = vector.load %arg0[%get3A, %get3A_0, %get3A_1] : memref<2x10240x128xf32, #tpu.memory_space<vmem>>, vector<2x10240x128xf32>
    %get3A_3 = arith.constant 0 : index
    %get3A_4 = arith.constant 0 : index
    %get3A_5 = vector.load %arg2[%get3A_3, %get3A_4] : memref<10000x1xf32, #tpu.memory_space<vmem>>, vector<10000x1xf32>
    %get3A_6 = arith.constant 0 : index
    %get3A_7 = arith.constant 0 : index
    %get3A_8 = vector.load %arg3[%get3A_6, %get3A_7] : memref<128x128xf32, #tpu.memory_space<vmem>>, vector<128x128xf32>
    %get3A_9 = arith.constant 0 : index
    %get3A_10 = arith.constant 0 : index
    %get3A_11 = vector.load %arg4[%get3A_9, %get3A_10] : memref<1x128xf32, #tpu.memory_space<vmem>>, vector<1x128xf32>
    %get3A_12 = arith.constant 0 : index
    %get3A_13 = arith.constant 0 : index
    %get3A_14 = vector.load %arg5[%get3A_12, %get3A_13] : memref<1x128xf32, #tpu.memory_space<vmem>>, vector<1x128xf32>
    %get3A_15 = arith.constant 0 : index
    %get3A_16 = arith.constant 0 : index
    %get3A_17 = vector.load %arg6[%get3A_15, %get3A_16] : memref<1x128xf32, #tpu.memory_space<vmem>>, vector<1x128xf32>
    %gt3A = arith.constant 0.000000e+00 : f32
    %gt3A_18 = vector.broadcast %gt3A : f32 to vector<10000x1xf32>
    %gt3A_19 = arith.cmpf ogt, %get3A_5, %gt3A_18 : vector<10000x1xf32>
    %max3A = arith.constant 1.000000e+00 : f32
    %max3A_20 = vector.broadcast %max3A : f32 to vector<10000x1xf32>
    %max3A_21 = arith.maximumf %get3A_5, %max3A_20 : vector<10000x1xf32>
    %rsqrt3A = math.rsqrt %max3A_21 : vector<10000x1xf32>
    %jit3A = arith.constant 0.000000e+00 : f32
    %broadcast_in_dim3A = vector.broadcast %jit3A : f32 to vector<10000x1xf32>
    %select_n3A = arith.select %gt3A_19, %rsqrt3A, %broadcast_in_dim3A : vector<10000x1xi1>, vector<10000x1xf32>
    %slice3A = vector.extract_strided_slice %get3A_2 {offsets = [0, 0, 0], sizes = [1, 10000, 128], strides = [1, 1, 1]} : vector<2x10240x128xf32> to vector<1x10000x128xf32>
    %squeeze3A = vector.shape_cast %slice3A : vector<1x10000x128xf32> to vector<10000x128xf32>
    %slice3A_22 = vector.extract_strided_slice %get3A_2 {offsets = [1, 0, 0], sizes = [1, 10000, 128], strides = [1, 1, 1]} : vector<2x10240x128xf32> to vector<1x10000x128xf32>
    %squeeze3A_23 = vector.shape_cast %slice3A_22 : vector<1x10000x128xf32> to vector<10000x128xf32>
    %add3A = arith.addf %squeeze3A, %squeeze3A_23 : vector<10000x128xf32>
    %mul3A = vector.broadcast %select_n3A : vector<10000x1xf32> to vector<10000x128xf32>
    %mul3A_24 = arith.mulf %add3A, %mul3A : vector<10000x128xf32>
    %dot_general3A = arith.constant dense<0.000000e+00> : vector<10000x128xf32>
    %dot_general3A_25 = tpu.matmul %mul3A_24, %get3A_8, %dot_general3A {dimension_numbers = #tpu.dot_dimension_numbers<[1], [0], [0], [1], [0, 0, 1, 1], [], []>, transpose_lhs_hint = false} : vector<10000x128xf32>, vector<128x128xf32>, vector<10000x128xf32> -> vector<10000x128xf32>
    %add3A_26 = vector.broadcast %get3A_11 : vector<1x128xf32> to vector<10000x128xf32>
    %add3A_27 = arith.addf %dot_general3A_25, %add3A_26 : vector<10000x128xf32>
    %reduce_sum3A = arith.constant dense<0.000000e+00> : vector<128xf32>
    %reduce_sum3A_28 = vector.multi_reduction <add>, %add3A_27, %reduce_sum3A [0] : vector<10000x128xf32> to vector<128xf32>
    %broadcast_in_dim3A_29 = vector.shape_cast %reduce_sum3A_28 : vector<128xf32> to vector<1x128xf32>
    %div3A = arith.constant 1.000000e+04 : f32
    %div3A_30 = vector.broadcast %div3A : f32 to vector<1x128xf32>
    %div3A_31 = arith.divf %broadcast_in_dim3A_29, %div3A_30 : vector<1x128xf32>
    %sub3A = vector.broadcast %div3A_31 : vector<1x128xf32> to vector<10000x128xf32>
    %sub3A_32 = arith.subf %add3A_27, %sub3A : vector<10000x128xf32>
    %integer_pow3A = arith.mulf %sub3A_32, %sub3A_32 : vector<10000x128xf32>
    %reduce_sum3A_33 = arith.constant dense<0.000000e+00> : vector<128xf32>
    %reduce_sum3A_34 = vector.multi_reduction <add>, %integer_pow3A, %reduce_sum3A_33 [0] : vector<10000x128xf32> to vector<128xf32>
    %broadcast_in_dim3A_35 = vector.shape_cast %reduce_sum3A_34 : vector<128xf32> to vector<1x128xf32>
    %div3A_36 = arith.constant 1.000000e+04 : f32
    %div3A_37 = vector.broadcast %div3A_36 : f32 to vector<1x128xf32>
    %div3A_38 = arith.divf %broadcast_in_dim3A_35, %div3A_37 : vector<1x128xf32>
    %sub3A_39 = vector.broadcast %div3A_31 : vector<1x128xf32> to vector<10000x128xf32>
    %sub3A_40 = arith.subf %add3A_27, %sub3A_39 : vector<10000x128xf32>
    %add3A_41 = arith.constant 9.99999974E-6 : f32
    %add3A_42 = vector.broadcast %add3A_41 : f32 to vector<1x128xf32>
    %add3A_43 = arith.addf %div3A_38, %add3A_42 : vector<1x128xf32>
    %rsqrt3A_44 = math.rsqrt %add3A_43 : vector<1x128xf32>
    %mul3A_45 = vector.broadcast %rsqrt3A_44 : vector<1x128xf32> to vector<10000x128xf32>
    %mul3A_46 = arith.mulf %sub3A_40, %mul3A_45 : vector<10000x128xf32>
    %mul3A_47 = vector.broadcast %get3A_14 : vector<1x128xf32> to vector<10000x128xf32>
    %mul3A_48 = arith.mulf %mul3A_46, %mul3A_47 : vector<10000x128xf32>
    %add3A_49 = vector.broadcast %get3A_17 : vector<1x128xf32> to vector<10000x128xf32>
    %add3A_50 = arith.addf %mul3A_48, %add3A_49 : vector<10000x128xf32>
    %max3A_51 = arith.constant 0.000000e+00 : f32
    %max3A_52 = vector.broadcast %max3A_51 : f32 to vector<10000x128xf32>
    %max3A_53 = arith.maximumf %add3A_50, %max3A_52 : vector<10000x128xf32>
    %get3A_54 = arith.constant 0 : index
    %get3A_55 = arith.constant 0 : index
    %get3A_56 = vector.load %arg1[%get3A_54, %get3A_55] : memref<10000x1xf32, #tpu.memory_space<vmem>>, vector<10000x1xf32>
    %gt3A_57 = arith.constant 0.000000e+00 : f32
    %gt3A_58 = vector.broadcast %gt3A_57 : f32 to vector<10000x1xf32>
    %gt3A_59 = arith.cmpf ogt, %get3A_56, %gt3A_58 : vector<10000x1xf32>
    %max3A_60 = arith.constant 1.000000e+00 : f32
    %max3A_61 = vector.broadcast %max3A_60 : f32 to vector<10000x1xf32>
    %max3A_62 = arith.maximumf %get3A_56, %max3A_61 : vector<10000x1xf32>
    %rsqrt3A_63 = math.rsqrt %max3A_62 : vector<10000x1xf32>
    %jit3A_64 = arith.constant 0.000000e+00 : f32
    %broadcast_in_dim3A_65 = vector.broadcast %jit3A_64 : f32 to vector<10000x1xf32>
    %select_n3A_66 = arith.select %gt3A_59, %rsqrt3A_63, %broadcast_in_dim3A_65 : vector<10000x1xi1>, vector<10000x1xf32>
    %mul3A_67 = vector.broadcast %select_n3A_66 : vector<10000x1xf32> to vector<10000x128xf32>
    %mul3A_68 = arith.mulf %max3A_53, %mul3A_67 : vector<10000x128xf32>
    %swap3A = arith.constant 0 : index
    %swap3A_69 = arith.constant 0 : index
    %swap3A_70 = vector.load %arg7[%swap3A, %swap3A_69] : memref<10000x128xf32, #tpu.memory_space<vmem>>, vector<10000x128xf32>
    tpu.vector_store %arg7[%swap3A, %swap3A_69], %mul3A_68 {strides = array<i32>} : memref<10000x128xf32, #tpu.memory_space<vmem>>, vector<10000x128xf32>,
    return
  }
}

module attributes {stable_mosaic.version = 14 : i64} {
  func.func @_tc_c_body(%arg0: memref<2x10240x128xf32, #tpu.memory_space<vmem>>, %arg1: memref<10000x1xf32, #tpu.memory_space<vmem>>, %arg2: memref<128x128xf32, #tpu.memory_space<vmem>>, %arg3: memref<1x128xf32, #tpu.memory_space<vmem>>, %arg4: memref<1x128xf32, #tpu.memory_space<vmem>>, %arg5: memref<1x128xf32, #tpu.memory_space<vmem>>, %arg6: memref<10000x1xi32, #tpu.memory_space<vmem>>, %arg7: memref<128x128xf32, #tpu.memory_space<vmem>>, %arg8: memref<1x128xf32, #tpu.memory_space<vmem>>, %arg9: memref<16x128xf32, #tpu.memory_space<vmem>>) attributes {dimension_semantics = [], scalar_prefetch = 0 : i64, scratch_operands = 0 : i64, tpu.core_type = #tpu.core_type<tc>} {
    %get3A = arith.constant 0 : index
    %get3A_0 = arith.constant 0 : index
    %get3A_1 = arith.constant 0 : index
    %get3A_2 = vector.load %arg0[%get3A, %get3A_0, %get3A_1] : memref<2x10240x128xf32, #tpu.memory_space<vmem>>, vector<2x10240x128xf32>
    %get3A_3 = arith.constant 0 : index
    %get3A_4 = arith.constant 0 : index
    %get3A_5 = vector.load %arg1[%get3A_3, %get3A_4] : memref<10000x1xf32, #tpu.memory_space<vmem>>, vector<10000x1xf32>
    %get3A_6 = arith.constant 0 : index
    %get3A_7 = arith.constant 0 : index
    %get3A_8 = vector.load %arg2[%get3A_6, %get3A_7] : memref<128x128xf32, #tpu.memory_space<vmem>>, vector<128x128xf32>
    %get3A_9 = arith.constant 0 : index
    %get3A_10 = arith.constant 0 : index
    %get3A_11 = vector.load %arg3[%get3A_9, %get3A_10] : memref<1x128xf32, #tpu.memory_space<vmem>>, vector<1x128xf32>
    %get3A_12 = arith.constant 0 : index
    %get3A_13 = arith.constant 0 : index
    %get3A_14 = vector.load %arg4[%get3A_12, %get3A_13] : memref<1x128xf32, #tpu.memory_space<vmem>>, vector<1x128xf32>
    %get3A_15 = arith.constant 0 : index
    %get3A_16 = arith.constant 0 : index
    %get3A_17 = vector.load %arg5[%get3A_15, %get3A_16] : memref<1x128xf32, #tpu.memory_space<vmem>>, vector<1x128xf32>
    %gt3A = arith.constant 0.000000e+00 : f32
    %gt3A_18 = vector.broadcast %gt3A : f32 to vector<10000x1xf32>
    %gt3A_19 = arith.cmpf ogt, %get3A_5, %gt3A_18 : vector<10000x1xf32>
    %max3A = arith.constant 1.000000e+00 : f32
    %max3A_20 = vector.broadcast %max3A : f32 to vector<10000x1xf32>
    %max3A_21 = arith.maximumf %get3A_5, %max3A_20 : vector<10000x1xf32>
    %rsqrt3A = math.rsqrt %max3A_21 : vector<10000x1xf32>
    %jit3A = arith.constant 0.000000e+00 : f32
    %broadcast_in_dim3A = vector.broadcast %jit3A : f32 to vector<10000x1xf32>
    %select_n3A = arith.select %gt3A_19, %rsqrt3A, %broadcast_in_dim3A : vector<10000x1xi1>, vector<10000x1xf32>
    %slice3A = vector.extract_strided_slice %get3A_2 {offsets = [0, 0, 0], sizes = [1, 10000, 128], strides = [1, 1, 1]} : vector<2x10240x128xf32> to vector<1x10000x128xf32>
    %squeeze3A = vector.shape_cast %slice3A : vector<1x10000x128xf32> to vector<10000x128xf32>
    %slice3A_22 = vector.extract_strided_slice %get3A_2 {offsets = [1, 0, 0], sizes = [1, 10000, 128], strides = [1, 1, 1]} : vector<2x10240x128xf32> to vector<1x10000x128xf32>
    %squeeze3A_23 = vector.shape_cast %slice3A_22 : vector<1x10000x128xf32> to vector<10000x128xf32>
    %add3A = arith.addf %squeeze3A, %squeeze3A_23 : vector<10000x128xf32>
    %mul3A = vector.broadcast %select_n3A : vector<10000x1xf32> to vector<10000x128xf32>
    %mul3A_24 = arith.mulf %add3A, %mul3A : vector<10000x128xf32>
    %dot_general3A = arith.constant dense<0.000000e+00> : vector<10000x128xf32>
    %dot_general3A_25 = tpu.matmul %mul3A_24, %get3A_8, %dot_general3A {dimension_numbers = #tpu.dot_dimension_numbers<[1], [0], [0], [1], [0, 0, 1, 1], [], []>, transpose_lhs_hint = false} : vector<10000x128xf32>, vector<128x128xf32>, vector<10000x128xf32> -> vector<10000x128xf32>
    %add3A_26 = vector.broadcast %get3A_11 : vector<1x128xf32> to vector<10000x128xf32>
    %add3A_27 = arith.addf %dot_general3A_25, %add3A_26 : vector<10000x128xf32>
    %reduce_sum3A = arith.constant dense<0.000000e+00> : vector<128xf32>
    %reduce_sum3A_28 = vector.multi_reduction <add>, %add3A_27, %reduce_sum3A [0] : vector<10000x128xf32> to vector<128xf32>
    %broadcast_in_dim3A_29 = vector.shape_cast %reduce_sum3A_28 : vector<128xf32> to vector<1x128xf32>
    %div3A = arith.constant 1.000000e+04 : f32
    %div3A_30 = vector.broadcast %div3A : f32 to vector<1x128xf32>
    %div3A_31 = arith.divf %broadcast_in_dim3A_29, %div3A_30 : vector<1x128xf32>
    %sub3A = vector.broadcast %div3A_31 : vector<1x128xf32> to vector<10000x128xf32>
    %sub3A_32 = arith.subf %add3A_27, %sub3A : vector<10000x128xf32>
    %integer_pow3A = arith.mulf %sub3A_32, %sub3A_32 : vector<10000x128xf32>
    %reduce_sum3A_33 = arith.constant dense<0.000000e+00> : vector<128xf32>
    %reduce_sum3A_34 = vector.multi_reduction <add>, %integer_pow3A, %reduce_sum3A_33 [0] : vector<10000x128xf32> to vector<128xf32>
    %broadcast_in_dim3A_35 = vector.shape_cast %reduce_sum3A_34 : vector<128xf32> to vector<1x128xf32>
    %div3A_36 = arith.constant 1.000000e+04 : f32
    %div3A_37 = vector.broadcast %div3A_36 : f32 to vector<1x128xf32>
    %div3A_38 = arith.divf %broadcast_in_dim3A_35, %div3A_37 : vector<1x128xf32>
    %sub3A_39 = vector.broadcast %div3A_31 : vector<1x128xf32> to vector<10000x128xf32>
    %sub3A_40 = arith.subf %add3A_27, %sub3A_39 : vector<10000x128xf32>
    %add3A_41 = arith.constant 9.99999974E-6 : f32
    %add3A_42 = vector.broadcast %add3A_41 : f32 to vector<1x128xf32>
    %add3A_43 = arith.addf %div3A_38, %add3A_42 : vector<1x128xf32>
    %rsqrt3A_44 = math.rsqrt %add3A_43 : vector<1x128xf32>
    %mul3A_45 = vector.broadcast %rsqrt3A_44 : vector<1x128xf32> to vector<10000x128xf32>
    %mul3A_46 = arith.mulf %sub3A_40, %mul3A_45 : vector<10000x128xf32>
    %mul3A_47 = vector.broadcast %get3A_14 : vector<1x128xf32> to vector<10000x128xf32>
    %mul3A_48 = arith.mulf %mul3A_46, %mul3A_47 : vector<10000x128xf32>
    %add3A_49 = vector.broadcast %get3A_17 : vector<1x128xf32> to vector<10000x128xf32>
    %add3A_50 = arith.addf %mul3A_48, %add3A_49 : vector<10000x128xf32>
    %max3A_51 = arith.constant 0.000000e+00 : f32
    %max3A_52 = vector.broadcast %max3A_51 : f32 to vector<10000x128xf32>
    %max3A_53 = arith.maximumf %add3A_50, %max3A_52 : vector<10000x128xf32>
    %get3A_54 = arith.constant 0 : index
    %get3A_55 = arith.constant 0 : index
    %get3A_56 = vector.load %arg6[%get3A_54, %get3A_55] : memref<10000x1xi32, #tpu.memory_space<vmem>>, vector<10000x1xi32>
    %eq3A = arith.constant 0 : i32
    %eq3A_57 = vector.broadcast %eq3A : i32 to vector<10000x1xi32>
    %eq3A_58 = arith.cmpi eq, %get3A_56, %eq3A_57 : vector<10000x1xi32>
    %jit3A_59 = arith.constant 0xFF800000 : f32
    %broadcast_in_dim3A_60 = vector.shape_cast %eq3A_58 : vector<10000x1xi1> to vector<10000x1xi1>
    %broadcast_in_dim3A_61 = vector.broadcast %broadcast_in_dim3A_60 : vector<10000x1xi1> to vector<10000x128xi1>
    %broadcast_in_dim3A_62 = vector.broadcast %jit3A_59 : f32 to vector<10000x128xf32>
    %select_n3A_63 = arith.select %broadcast_in_dim3A_61, %max3A_53, %broadcast_in_dim3A_62 : vector<10000x128xi1>, vector<10000x128xf32>
    %reduce_max3A = arith.constant dense<0xFF800000> : vector<128xf32>
    %reduce_max3A_64 = vector.multi_reduction <maximumf>, %select_n3A_63, %reduce_max3A [0] : vector<10000x128xf32> to vector<128xf32>
    %broadcast_in_dim3A_65 = vector.shape_cast %reduce_max3A_64 : vector<128xf32> to vector<1x128xf32>
    %eq3A_66 = arith.constant 1 : i32
    %eq3A_67 = vector.broadcast %eq3A_66 : i32 to vector<10000x1xi32>
    %eq3A_68 = arith.cmpi eq, %get3A_56, %eq3A_67 : vector<10000x1xi32>
    %jit3A_69 = arith.constant 0xFF800000 : f32
    %broadcast_in_dim3A_70 = vector.shape_cast %eq3A_68 : vector<10000x1xi1> to vector<10000x1xi1>
    %broadcast_in_dim3A_71 = vector.broadcast %broadcast_in_dim3A_70 : vector<10000x1xi1> to vector<10000x128xi1>
    %broadcast_in_dim3A_72 = vector.broadcast %jit3A_69 : f32 to vector<10000x128xf32>
    %select_n3A_73 = arith.select %broadcast_in_dim3A_71, %max3A_53, %broadcast_in_dim3A_72 : vector<10000x128xi1>, vector<10000x128xf32>
    %reduce_max3A_74 = arith.constant dense<0xFF800000> : vector<128xf32>
    %reduce_max3A_75 = vector.multi_reduction <maximumf>, %select_n3A_73, %reduce_max3A_74 [0] : vector<10000x128xf32> to vector<128xf32>
    %broadcast_in_dim3A_76 = vector.shape_cast %reduce_max3A_75 : vector<128xf32> to vector<1x128xf32>
    %eq3A_77 = arith.constant 2 : i32
    %eq3A_78 = vector.broadcast %eq3A_77 : i32 to vector<10000x1xi32>
    %eq3A_79 = arith.cmpi eq, %get3A_56, %eq3A_78 : vector<10000x1xi32>
    %jit3A_80 = arith.constant 0xFF800000 : f32
    %broadcast_in_dim3A_81 = vector.shape_cast %eq3A_79 : vector<10000x1xi1> to vector<10000x1xi1>
    %broadcast_in_dim3A_82 = vector.broadcast %broadcast_in_dim3A_81 : vector<10000x1xi1> to vector<10000x128xi1>
    %broadcast_in_dim3A_83 = vector.broadcast %jit3A_80 : f32 to vector<10000x128xf32>
    %select_n3A_84 = arith.select %broadcast_in_dim3A_82, %max3A_53, %broadcast_in_dim3A_83 : vector<10000x128xi1>, vector<10000x128xf32>
    %reduce_max3A_85 = arith.constant dense<0xFF800000> : vector<128xf32>
    %reduce_max3A_86 = vector.multi_reduction <maximumf>, %select_n3A_84, %reduce_max3A_85 [0] : vector<10000x128xf32> to vector<128xf32>
    %broadcast_in_dim3A_87 = vector.shape_cast %reduce_max3A_86 : vector<128xf32> to vector<1x128xf32>
    %eq3A_88 = arith.constant 3 : i32
    %eq3A_89 = vector.broadcast %eq3A_88 : i32 to vector<10000x1xi32>
    %eq3A_90 = arith.cmpi eq, %get3A_56, %eq3A_89 : vector<10000x1xi32>
    %jit3A_91 = arith.constant 0xFF800000 : f32
    %broadcast_in_dim3A_92 = vector.shape_cast %eq3A_90 : vector<10000x1xi1> to vector<10000x1xi1>
    %broadcast_in_dim3A_93 = vector.broadcast %broadcast_in_dim3A_92 : vector<10000x1xi1> to vector<10000x128xi1>
    %broadcast_in_dim3A_94 = vector.broadcast %jit3A_91 : f32 to vector<10000x128xf32>
    %select_n3A_95 = arith.select %broadcast_in_dim3A_93, %max3A_53, %broadcast_in_dim3A_94 : vector<10000x128xi1>, vector<10000x128xf32>
    %reduce_max3A_96 = arith.constant dense<0xFF800000> : vector<128xf32>
    %reduce_max3A_97 = vector.multi_reduction <maximumf>, %select_n3A_95, %reduce_max3A_96 [0] : vector<10000x128xf32> to vector<128xf32>
    %broadcast_in_dim3A_98 = vector.shape_cast %reduce_max3A_97 : vector<128xf32> to vector<1x128xf32>
    %eq3A_99 = arith.constant 4 : i32
    %eq3A_100 = vector.broadcast %eq3A_99 : i32 to vector<10000x1xi32>
    %eq3A_101 = arith.cmpi eq, %get3A_56, %eq3A_100 : vector<10000x1xi32>
    %jit3A_102 = arith.constant 0xFF800000 : f32
    %broadcast_in_dim3A_103 = vector.shape_cast %eq3A_101 : vector<10000x1xi1> to vector<10000x1xi1>
    %broadcast_in_dim3A_104 = vector.broadcast %broadcast_in_dim3A_103 : vector<10000x1xi1> to vector<10000x128xi1>
    %broadcast_in_dim3A_105 = vector.broadcast %jit3A_102 : f32 to vector<10000x128xf32>
    %select_n3A_106 = arith.select %broadcast_in_dim3A_104, %max3A_53, %broadcast_in_dim3A_105 : vector<10000x128xi1>, vector<10000x128xf32>
    %reduce_max3A_107 = arith.constant dense<0xFF800000> : vector<128xf32>
    %reduce_max3A_108 = vector.multi_reduction <maximumf>, %select_n3A_106, %reduce_max3A_107 [0] : vector<10000x128xf32> to vector<128xf32>
    %broadcast_in_dim3A_109 = vector.shape_cast %reduce_max3A_108 : vector<128xf32> to vector<1x128xf32>
    %eq3A_110 = arith.constant 5 : i32
    %eq3A_111 = vector.broadcast %eq3A_110 : i32 to vector<10000x1xi32>
    %eq3A_112 = arith.cmpi eq, %get3A_56, %eq3A_111 : vector<10000x1xi32>
    %jit3A_113 = arith.constant 0xFF800000 : f32
    %broadcast_in_dim3A_114 = vector.shape_cast %eq3A_112 : vector<10000x1xi1> to vector<10000x1xi1>
    %broadcast_in_dim3A_115 = vector.broadcast %broadcast_in_dim3A_114 : vector<10000x1xi1> to vector<10000x128xi1>
    %broadcast_in_dim3A_116 = vector.broadcast %jit3A_113 : f32 to vector<10000x128xf32>
    %select_n3A_117 = arith.select %broadcast_in_dim3A_115, %max3A_53, %broadcast_in_dim3A_116 : vector<10000x128xi1>, vector<10000x128xf32>
    %reduce_max3A_118 = arith.constant dense<0xFF800000> : vector<128xf32>
    %reduce_max3A_119 = vector.multi_reduction <maximumf>, %select_n3A_117, %reduce_max3A_118 [0] : vector<10000x128xf32> to vector<128xf32>
    %broadcast_in_dim3A_120 = vector.shape_cast %reduce_max3A_119 : vector<128xf32> to vector<1x128xf32>
    %eq3A_121 = arith.constant 6 : i32
    %eq3A_122 = vector.broadcast %eq3A_121 : i32 to vector<10000x1xi32>
    %eq3A_123 = arith.cmpi eq, %get3A_56, %eq3A_122 : vector<10000x1xi32>
    %jit3A_124 = arith.constant 0xFF800000 : f32
    %broadcast_in_dim3A_125 = vector.shape_cast %eq3A_123 : vector<10000x1xi1> to vector<10000x1xi1>
    %broadcast_in_dim3A_126 = vector.broadcast %broadcast_in_dim3A_125 : vector<10000x1xi1> to vector<10000x128xi1>
    %broadcast_in_dim3A_127 = vector.broadcast %jit3A_124 : f32 to vector<10000x128xf32>
    %select_n3A_128 = arith.select %broadcast_in_dim3A_126, %max3A_53, %broadcast_in_dim3A_127 : vector<10000x128xi1>, vector<10000x128xf32>
    %reduce_max3A_129 = arith.constant dense<0xFF800000> : vector<128xf32>
    %reduce_max3A_130 = vector.multi_reduction <maximumf>, %select_n3A_128, %reduce_max3A_129 [0] : vector<10000x128xf32> to vector<128xf32>
    %broadcast_in_dim3A_131 = vector.shape_cast %reduce_max3A_130 : vector<128xf32> to vector<1x128xf32>
    %eq3A_132 = arith.constant 7 : i32
    %eq3A_133 = vector.broadcast %eq3A_132 : i32 to vector<10000x1xi32>
    %eq3A_134 = arith.cmpi eq, %get3A_56, %eq3A_133 : vector<10000x1xi32>
    %jit3A_135 = arith.constant 0xFF800000 : f32
    %broadcast_in_dim3A_136 = vector.shape_cast %eq3A_134 : vector<10000x1xi1> to vector<10000x1xi1>
    %broadcast_in_dim3A_137 = vector.broadcast %broadcast_in_dim3A_136 : vector<10000x1xi1> to vector<10000x128xi1>
    %broadcast_in_dim3A_138 = vector.broadcast %jit3A_135 : f32 to vector<10000x128xf32>
    %select_n3A_139 = arith.select %broadcast_in_dim3A_137, %max3A_53, %broadcast_in_dim3A_138 : vector<10000x128xi1>, vector<10000x128xf32>
    %reduce_max3A_140 = arith.constant dense<0xFF800000> : vector<128xf32>
    %reduce_max3A_141 = vector.multi_reduction <maximumf>, %select_n3A_139, %reduce_max3A_140 [0] : vector<10000x128xf32> to vector<128xf32>
    %broadcast_in_dim3A_142 = vector.shape_cast %reduce_max3A_141 : vector<128xf32> to vector<1x128xf32>
    %eq3A_143 = arith.constant 8 : i32
    %eq3A_144 = vector.broadcast %eq3A_143 : i32 to vector<10000x1xi32>
    %eq3A_145 = arith.cmpi eq, %get3A_56, %eq3A_144 : vector<10000x1xi32>
    %jit3A_146 = arith.constant 0xFF800000 : f32
    %broadcast_in_dim3A_147 = vector.shape_cast %eq3A_145 : vector<10000x1xi1> to vector<10000x1xi1>
    %broadcast_in_dim3A_148 = vector.broadcast %broadcast_in_dim3A_147 : vector<10000x1xi1> to vector<10000x128xi1>
    %broadcast_in_dim3A_149 = vector.broadcast %jit3A_146 : f32 to vector<10000x128xf32>
    %select_n3A_150 = arith.select %broadcast_in_dim3A_148, %max3A_53, %broadcast_in_dim3A_149 : vector<10000x128xi1>, vector<10000x128xf32>
    %reduce_max3A_151 = arith.constant dense<0xFF800000> : vector<128xf32>
    %reduce_max3A_152 = vector.multi_reduction <maximumf>, %select_n3A_150, %reduce_max3A_151 [0] : vector<10000x128xf32> to vector<128xf32>
    %broadcast_in_dim3A_153 = vector.shape_cast %reduce_max3A_152 : vector<128xf32> to vector<1x128xf32>
    %eq3A_154 = arith.constant 9 : i32
    %eq3A_155 = vector.broadcast %eq3A_154 : i32 to vector<10000x1xi32>
    %eq3A_156 = arith.cmpi eq, %get3A_56, %eq3A_155 : vector<10000x1xi32>
    %jit3A_157 = arith.constant 0xFF800000 : f32
    %broadcast_in_dim3A_158 = vector.shape_cast %eq3A_156 : vector<10000x1xi1> to vector<10000x1xi1>
    %broadcast_in_dim3A_159 = vector.broadcast %broadcast_in_dim3A_158 : vector<10000x1xi1> to vector<10000x128xi1>
    %broadcast_in_dim3A_160 = vector.broadcast %jit3A_157 : f32 to vector<10000x128xf32>
    %select_n3A_161 = arith.select %broadcast_in_dim3A_159, %max3A_53, %broadcast_in_dim3A_160 : vector<10000x128xi1>, vector<10000x128xf32>
    %reduce_max3A_162 = arith.constant dense<0xFF800000> : vector<128xf32>
    %reduce_max3A_163 = vector.multi_reduction <maximumf>, %select_n3A_161, %reduce_max3A_162 [0] : vector<10000x128xf32> to vector<128xf32>
    %broadcast_in_dim3A_164 = vector.shape_cast %reduce_max3A_163 : vector<128xf32> to vector<1x128xf32>
    %eq3A_165 = arith.constant 10 : i32
    %eq3A_166 = vector.broadcast %eq3A_165 : i32 to vector<10000x1xi32>
    %eq3A_167 = arith.cmpi eq, %get3A_56, %eq3A_166 : vector<10000x1xi32>
    %jit3A_168 = arith.constant 0xFF800000 : f32
    %broadcast_in_dim3A_169 = vector.shape_cast %eq3A_167 : vector<10000x1xi1> to vector<10000x1xi1>
    %broadcast_in_dim3A_170 = vector.broadcast %broadcast_in_dim3A_169 : vector<10000x1xi1> to vector<10000x128xi1>
    %broadcast_in_dim3A_171 = vector.broadcast %jit3A_168 : f32 to vector<10000x128xf32>
    %select_n3A_172 = arith.select %broadcast_in_dim3A_170, %max3A_53, %broadcast_in_dim3A_171 : vector<10000x128xi1>, vector<10000x128xf32>
    %reduce_max3A_173 = arith.constant dense<0xFF800000> : vector<128xf32>
    %reduce_max3A_174 = vector.multi_reduction <maximumf>, %select_n3A_172, %reduce_max3A_173 [0] : vector<10000x128xf32> to vector<128xf32>
    %broadcast_in_dim3A_175 = vector.shape_cast %reduce_max3A_174 : vector<128xf32> to vector<1x128xf32>
    %eq3A_176 = arith.constant 11 : i32
    %eq3A_177 = vector.broadcast %eq3A_176 : i32 to vector<10000x1xi32>
    %eq3A_178 = arith.cmpi eq, %get3A_56, %eq3A_177 : vector<10000x1xi32>
    %jit3A_179 = arith.constant 0xFF800000 : f32
    %broadcast_in_dim3A_180 = vector.shape_cast %eq3A_178 : vector<10000x1xi1> to vector<10000x1xi1>
    %broadcast_in_dim3A_181 = vector.broadcast %broadcast_in_dim3A_180 : vector<10000x1xi1> to vector<10000x128xi1>
    %broadcast_in_dim3A_182 = vector.broadcast %jit3A_179 : f32 to vector<10000x128xf32>
    %select_n3A_183 = arith.select %broadcast_in_dim3A_181, %max3A_53, %broadcast_in_dim3A_182 : vector<10000x128xi1>, vector<10000x128xf32>
    %reduce_max3A_184 = arith.constant dense<0xFF800000> : vector<128xf32>
    %reduce_max3A_185 = vector.multi_reduction <maximumf>, %select_n3A_183, %reduce_max3A_184 [0] : vector<10000x128xf32> to vector<128xf32>
    %broadcast_in_dim3A_186 = vector.shape_cast %reduce_max3A_185 : vector<128xf32> to vector<1x128xf32>
    %eq3A_187 = arith.constant 12 : i32
    %eq3A_188 = vector.broadcast %eq3A_187 : i32 to vector<10000x1xi32>
    %eq3A_189 = arith.cmpi eq, %get3A_56, %eq3A_188 : vector<10000x1xi32>
    %jit3A_190 = arith.constant 0xFF800000 : f32
    %broadcast_in_dim3A_191 = vector.shape_cast %eq3A_189 : vector<10000x1xi1> to vector<10000x1xi1>
    %broadcast_in_dim3A_192 = vector.broadcast %broadcast_in_dim3A_191 : vector<10000x1xi1> to vector<10000x128xi1>
    %broadcast_in_dim3A_193 = vector.broadcast %jit3A_190 : f32 to vector<10000x128xf32>
    %select_n3A_194 = arith.select %broadcast_in_dim3A_192, %max3A_53, %broadcast_in_dim3A_193 : vector<10000x128xi1>, vector<10000x128xf32>
    %reduce_max3A_195 = arith.constant dense<0xFF800000> : vector<128xf32>
    %reduce_max3A_196 = vector.multi_reduction <maximumf>, %select_n3A_194, %reduce_max3A_195 [0] : vector<10000x128xf32> to vector<128xf32>
    %broadcast_in_dim3A_197 = vector.shape_cast %reduce_max3A_196 : vector<128xf32> to vector<1x128xf32>
    %eq3A_198 = arith.constant 13 : i32
    %eq3A_199 = vector.broadcast %eq3A_198 : i32 to vector<10000x1xi32>
    %eq3A_200 = arith.cmpi eq, %get3A_56, %eq3A_199 : vector<10000x1xi32>
    %jit3A_201 = arith.constant 0xFF800000 : f32
    %broadcast_in_dim3A_202 = vector.shape_cast %eq3A_200 : vector<10000x1xi1> to vector<10000x1xi1>
    %broadcast_in_dim3A_203 = vector.broadcast %broadcast_in_dim3A_202 : vector<10000x1xi1> to vector<10000x128xi1>
    %broadcast_in_dim3A_204 = vector.broadcast %jit3A_201 : f32 to vector<10000x128xf32>
    %select_n3A_205 = arith.select %broadcast_in_dim3A_203, %max3A_53, %broadcast_in_dim3A_204 : vector<10000x128xi1>, vector<10000x128xf32>
    %reduce_max3A_206 = arith.constant dense<0xFF800000> : vector<128xf32>
    %reduce_max3A_207 = vector.multi_reduction <maximumf>, %select_n3A_205, %reduce_max3A_206 [0] : vector<10000x128xf32> to vector<128xf32>
    %broadcast_in_dim3A_208 = vector.shape_cast %reduce_max3A_207 : vector<128xf32> to vector<1x128xf32>
    %eq3A_209 = arith.constant 14 : i32
    %eq3A_210 = vector.broadcast %eq3A_209 : i32 to vector<10000x1xi32>
    %eq3A_211 = arith.cmpi eq, %get3A_56, %eq3A_210 : vector<10000x1xi32>
    %jit3A_212 = arith.constant 0xFF800000 : f32
    %broadcast_in_dim3A_213 = vector.shape_cast %eq3A_211 : vector<10000x1xi1> to vector<10000x1xi1>
    %broadcast_in_dim3A_214 = vector.broadcast %broadcast_in_dim3A_213 : vector<10000x1xi1> to vector<10000x128xi1>
    %broadcast_in_dim3A_215 = vector.broadcast %jit3A_212 : f32 to vector<10000x128xf32>
    %select_n3A_216 = arith.select %broadcast_in_dim3A_214, %max3A_53, %broadcast_in_dim3A_215 : vector<10000x128xi1>, vector<10000x128xf32>
    %reduce_max3A_217 = arith.constant dense<0xFF800000> : vector<128xf32>
    %reduce_max3A_218 = vector.multi_reduction <maximumf>, %select_n3A_216, %reduce_max3A_217 [0] : vector<10000x128xf32> to vector<128xf32>
    %broadcast_in_dim3A_219 = vector.shape_cast %reduce_max3A_218 : vector<128xf32> to vector<1x128xf32>
    %eq3A_220 = arith.constant 15 : i32
    %eq3A_221 = vector.broadcast %eq3A_220 : i32 to vector<10000x1xi32>
    %eq3A_222 = arith.cmpi eq, %get3A_56, %eq3A_221 : vector<10000x1xi32>
    %jit3A_223 = arith.constant 0xFF800000 : f32
    %broadcast_in_dim3A_224 = vector.shape_cast %eq3A_222 : vector<10000x1xi1> to vector<10000x1xi1>
    %broadcast_in_dim3A_225 = vector.broadcast %broadcast_in_dim3A_224 : vector<10000x1xi1> to vector<10000x128xi1>
    %broadcast_in_dim3A_226 = vector.broadcast %jit3A_223 : f32 to vector<10000x128xf32>
    %select_n3A_227 = arith.select %broadcast_in_dim3A_225, %max3A_53, %broadcast_in_dim3A_226 : vector<10000x128xi1>, vector<10000x128xf32>
    %reduce_max3A_228 = arith.constant dense<0xFF800000> : vector<128xf32>
    %reduce_max3A_229 = vector.multi_reduction <maximumf>, %select_n3A_227, %reduce_max3A_228 [0] : vector<10000x128xf32> to vector<128xf32>
    %broadcast_in_dim3A_230 = vector.shape_cast %reduce_max3A_229 : vector<128xf32> to vector<1x128xf32>
    %concatenate3A = tpu.concatenate %broadcast_in_dim3A_65, %broadcast_in_dim3A_76, %broadcast_in_dim3A_87, %broadcast_in_dim3A_98, %broadcast_in_dim3A_109, %broadcast_in_dim3A_120, %broadcast_in_dim3A_131, %broadcast_in_dim3A_142, %broadcast_in_dim3A_153, %broadcast_in_dim3A_164, %broadcast_in_dim3A_175, %broadcast_in_dim3A_186, %broadcast_in_dim3A_197, %broadcast_in_dim3A_208, %broadcast_in_dim3A_219, %broadcast_in_dim3A_230 in 0 : vector<1x128xf32>, vector<1x128xf32>, vector<1x128xf32>, vector<1x128xf32>, vector<1x128xf32>, vector<1x128xf32>, vector<1x128xf32>, vector<1x128xf32>, vector<1x128xf32>, vector<1x128xf32>, vector<1x128xf32>, vector<1x128xf32>, vector<1x128xf32>, vector<1x128xf32>, vector<1x128xf32>, vector<1x128xf32> -> vector<16x128xf32>
    %get3A_231 = arith.constant 0 : index
    %get3A_232 = arith.constant 0 : index
    %get3A_233 = vector.load %arg7[%get3A_231, %get3A_232] : memref<128x128xf32, #tpu.memory_space<vmem>>, vector<128x128xf32>
    %dot_general3A_234 = arith.constant dense<0.000000e+00> : vector<16x128xf32>
    %dot_general3A_235 = tpu.matmul %concatenate3A, %get3A_233, %dot_general3A_234 {dimension_numbers = #tpu.dot_dimension_numbers<[1], [1], [0], [0], [0, 0, 1, 0], [], []>, transpose_lhs_hint = false} : vector<16x128xf32>, vector<128x128xf32>, vector<16x128xf32> -> vector<16x128xf32>
    %get3A_236 = arith.constant 0 : index
    %get3A_237 = arith.constant 0 : index
    %get3A_238 = vector.load %arg8[%get3A_236, %get3A_237] : memref<1x128xf32, #tpu.memory_space<vmem>>, vector<1x128xf32>
    %add3A_239 = vector.broadcast %get3A_238 : vector<1x128xf32> to vector<16x128xf32>
    %add3A_240 = arith.addf %dot_general3A_235, %add3A_239 : vector<16x128xf32>
    %swap3A = arith.constant 0 : index
    %swap3A_241 = arith.constant 0 : index
    %swap3A_242 = vector.load %arg9[%swap3A, %swap3A_241] : memref<16x128xf32, #tpu.memory_space<vmem>>, vector<16x128xf32>
    tpu.vector_store %arg9[%swap3A, %swap3A_241], %add3A_240 {strides = array<i32>} : memref<16x128xf32, #tpu.memory_space<vmem>>, vector<16x128xf32>,
    return
  }
}

</mosaic_0001>

<sc_bundles>
// kernel: kernel.11.cloned.1.call-start
scs
__scs_entry_jumppad:
0x0: {  	(pc) =	sbr.rel $0x88, $3  }
0x1: {  	(tag) =	ssettag $0x0;
	lr =	simm.s32 $0x1  }
0x2: {  	[smem:$0x3F93] =	sst lr;
	_ =	strace $0xD0000000  }
0x3: {  	_ = 	snop  }
0x4: {  	_ = 	snop  }
0x5: {  	_ = 	snop  }
0x6: {  	_ = 	snop  }
0x7: {  	_ = 	snop  }
__scs_overlays_trampoline_lowered:
0x8: {  	[smem:$0x3FA2] =	sst s0  }
0x9: {  	[smem:$0x3FA3] =	sst s1  }
0xa: {  	[smem:$0x3FA4] =	sst s2  }
0xb: {  	[smem:$0x3FA5] =	sst s3  }
0xc: {  	[smem:$0x3FA6] =	sst s4  }
0xd: {  	[smem:$0x3FA7] =	sst s5  }
0xe: {  	[smem:$0x3FA8] =	sst s6  }
0xf: {  	[smem:$0x3FA9] =	sst s7  }
0x10: {  	[smem:$0x3FAA] =	sst s8  }
0x11: {  	[smem:$0x3FAB] =	sst s9;
	s0 =	simm.s32 @!p0 $0x0  }
0x12: {  	s1 =	sld [smem:$0x3F91];
	s0 =	simm.s32 @p0 $0x1  }
0x13: {  	[smem:$0x3FAC] =	sst s0;
	s0 =	simm.s32 @!p1 $0x0  }
0x14: {  	s2 =	sld [smem:$0x3F90];
	s0 =	simm.s32 @p1 $0x1  }
0x15: {  	[smem:$0x3FAD] =	sst s0;
	s0 =	simm.s32 @!p2 $0x0  }
0x16: {  	s3 =	sld [smem:$0x3FDB];
	s0 =	simm.s32 @p2 $0x1  }
0x17: {  	s4 =	simm.s32 $0x1BF5;
	[smem:$0x3FAF] =	sst s0  }
0x18: {  	s0 =	sld [smem:$0x3F92];
	_ =	swait.ge [sflag:s4], $0x0  }
0x19: {  	s7 =	sld [smem:$0x3F93]  }
0x1a: {  	s8 =	sadd.s32 $0xFFFFE003, lr  }
0x1b: {  	s9 =	sadd.s32 $0xFFFFFEF7, lr;
	s5 =	simm.s32 $0xFFFFFFFF;
	p2 =	slt.u32 s8, $0xFFFFF086  }
0x1c: {  	p1 =	slt.u32 s9, $0xF7A;
	s5 =	simm.s32 @!p2 $0x0  }
0x1d: {  	s5 =	simm.s32 @p1 $0x1;
	p0 =	seq.s32 s7, s2  }
0x1e: {  	s7 =	smul.u32 @!p0 $0xF7A, s2;
	p2 =	seq.s32 @!p0 s5, $0x0  }
0x1f: {  	s9 =	smul.u32 $0xF7A, s1;
	s8 =	simm.s32 @!p0 $0x1BF5;
	p2 =	por !p2, p0  }
0x20: {  	[sflag:s8] =	ssyncset.s32 @!p0 $0xFFFFF086;
	s6 =	sadd.s32 @!p0 s3, s7;
	s7 =	simm.s32 @!p0 $0x108  }
0x21: {  	s3 =	sadd.s32 s3, s9;
	s6 =	sadd.s32 @!p0 $0x88, s6;
	s7 =	simm.s32 @p2 $0x1082  }
0x22: {  	[simem:s7], [sflag:s8] =	dma.local @!p0 [hbm:s6], $0xF7A  }
0x23: {  	s9 =	sor.u32 $0xD0000000, s2;
	s6 =	simm.s32 $0x108;
	_ =	swait.ge @!p0 [sflag:s8], $0x0  }
0x24: {  	s3 =	sadd.s32 $0x88, s3;
	s6 =	simm.s32 @!p1 $0x1082;
	[sflag:s4] =	ssyncset.s32 $0xFFFFF086  }
0x25: {  	[simem:s6], [sflag:s4] =	dma.local [hbm:s3], $0xF7A  }
0x26: {  	[smem:$0x3F93] =	sst s1;
	(tag) =	ssettag s2;
	_ =	strace s9  }
0x27: {  	s1 =	sld [smem:$0x3FA3]  }
0x28: {  	s2 =	sld [smem:$0x3FA4]  }
0x29: {  	s4 =	sld [smem:$0x3FA6]  }
0x2a: {  	p0 =	seq.s32 s5, $0x0;
	s5 =	sld [smem:$0x3FA7]  }
0x2b: {  	s6 =	sld [smem:$0x3FA8]  }
0x2c: {  	s7 =	sld [smem:$0x3FA9]  }
0x2d: {  	s3 =	simm.s32 $0x108;
	s8 =	sld [smem:$0x3FAA]  }
0x2e: {  	s3 =	simm.s32 @!p0 $0x1082;
	s9 =	sld [smem:$0x3FAB]  }
0x2f: {  	lr =	sadd.s32 s0, s3;
	s0 =	sld [smem:$0x3FA2]  }
0x30: {  	s3 =	sld [smem:$0x3FA5]  }
0x31: {  	[smem:$0x3FAE] =	sst s10  }
0x32: {  	s10 =	sld [smem:$0x3FAC];
	_ =	sdelay $0x3  }
0x33: {  	p0 =	seq.s32 s10, $0x1;
	s10 =	sld [smem:$0x3FAE];
	_ =	sdelay $0x3  }
0x34: {  	[smem:$0x3FAE] =	sst s10  }
0x35: {  	s10 =	sld [smem:$0x3FAD];
	_ =	sdelay $0x3  }
0x36: {  	p1 =	seq.s32 s10, $0x1;
	s10 =	sld [smem:$0x3FAE];
	_ =	sdelay $0x3  }
0x37: {  	[smem:$0x3FAE] =	sst s10  }
0x38: {  	s10 =	sld [smem:$0x3FAF]  }
0x39: {  	_ = 	snop;
	(pc) =	sbr.ind lr, $3  }
0x3a: {  	_ = 	snop  }
0x3b: {  	_ = 	snop  }
0x3c: {  	p2 =	seq.s32 s10, $0x1;
	s10 =	sld [smem:$0x3FAE]  }
0x3d: {  	_ =	shalt  }
0x3e: {  	_ =	shalt  }
0x3f: {  	_ =	shalt  }
0x40: {  	_ =	shalt  }
0x41: {  	_ =	shalt  }
0x42: {  	_ =	shalt  }
0x43: {  	_ =	shalt  }
0x44: {  	_ =	shalt  }
0x45: {  	_ =	shalt  }
0x46: {  	_ =	shalt  }
0x47: {  	_ =	shalt  }
0x48: {  	_ =	shalt  }
0x49: {  	_ =	shalt  }
0x4a: {  	_ =	shalt  }
0x4b: {  	_ =	shalt  }
0x4c: {  	_ =	shalt  }
0x4d: {  	_ =	shalt  }
0x4e: {  	_ =	shalt  }
0x4f: {  	_ =	shalt  }
0x50: {  	_ =	shalt  }
0x51: {  	_ =	shalt  }
0x52: {  	_ =	shalt  }
0x53: {  	_ =	shalt  }
0x54: {  	_ =	shalt  }
0x55: {  	_ =	shalt  }
0x56: {  	_ =	shalt  }
0x57: {  	_ =	shalt  }
0x58: {  	_ =	shalt  }
0x59: {  	_ =	shalt  }
0x5a: {  	_ =	shalt  }
0x5b: {  	_ =	shalt  }
0x5c: {  	_ =	shalt  }
0x5d: {  	_ =	shalt  }
0x5e: {  	_ =	shalt  }
0x5f: {  	_ =	shalt  }
0x60: {  	_ =	shalt  }
0x61: {  	_ =	shalt  }
0x62: {  	_ =	shalt  }
0x63: {  	_ =	shalt  }
0x64: {  	_ =	shalt  }
0x65: {  	_ =	shalt  }
0x66: {  	_ =	shalt  }
0x67: {  	_ =	shalt  }
0x68: {  	_ =	shalt  }
0x69: {  	_ =	shalt  }
0x6a: {  	_ =	shalt  }
0x6b: {  	_ =	shalt  }
0x6c: {  	_ =	shalt  }
0x6d: {  	_ =	shalt  }
0x6e: {  	_ =	shalt  }
0x6f: {  	_ =	shalt  }
0x70: {  	_ =	shalt  }
0x71: {  	_ =	shalt  }
0x72: {  	_ =	shalt  }
0x73: {  	_ =	shalt  }
0x74: {  	_ =	shalt  }
0x75: {  	_ =	shalt  }
0x76: {  	_ =	shalt  }
0x77: {  	_ =	shalt  }
0x78: {  	_ =	shalt  }
0x79: {  	_ =	shalt  }
0x7a: {  	_ =	shalt  }
0x7b: {  	_ =	shalt  }
0x7c: {  	_ =	shalt  }
0x7d: {  	_ =	shalt  }
0x7e: {  	_ =	shalt  }
0x7f: {  	_ =	shalt  }
0x80: {  	_ =	shalt  }
0x81: {  	_ =	shalt  }
0x82: {  	_ =	shalt  }
0x83: {  	_ =	shalt  }
0x84: {  	_ =	shalt  }
0x85: {  	_ =	shalt  }
0x86: {  	_ =	shalt  }
0x87: {  	_ =	shalt  }
.Lfunc_end0:
.L_simem_size_0:
called_computation.1_lowered:
.L_overlay_start_0:
0x88: {  	s2 =	sld [smem:$0x3FD9]  }
0x89: {  	s3 =	sld [smem:$0x3FFE];
	_ =	sdelay $0x1  }
0x8a: {  	s1 =	srdreg.scid  }
0x8b: {  	s0 =	sand.u32 $0x1, s1  }
0x8c: {  	s16 =	sshll.u32 s0, $0xA;
	s2 =	sadd.s32 s3, s2  }
0x8d: {  	s2 =	sadd.s32 s2, s16  }
0x8e: {  	[smem:$0x3FBA] =	sst s2  }
0x8f: {  	_ = 	snop  }
0x90: {  	(tm) =	ssettm $0x1  }
0x91: {  	s17 =	sld [smem:$0x3FFB];
	_ =	sdelay $0x3  }
0x92: {  	_ =	strace s17  }
0x93: {  	s2 =	sld [smem:$0x3FFC];
	_ =	sdelay $0x3  }
0x94: {  	_ =	strace s2  }
0x95: {  	s2 =	sld [smem:$0x3FFD];
	_ =	sdelay $0x3  }
0x96: {  	_ =	strace s2  }
0x97: {  	_ =	strace $0x8FFFFFFF  }
0x98: {  	s18 =	sld [smem:$0x3FDB];
	_ =	sdelay $0x1  }
0x99: {  	s19 =	simm.s32 $_scs_section_size  }
0x9a: {  	s4 =	simm.s32 $_size__tile_overlayer_lowered;
	s5 =	simm.s32 $_tile_overlayer_lowered  }
0x9b: {  	s22 =	simm.s32 $0x1BFF;
	s21 =	sshll.u32 s5, $0x1;
	s2 =	sadd.s32 s19, s18  }
0x9c: {  	s6 =	simm.s32 $0x0;
	s20 =	sshll.u32 s4, $0x1;
	s4 =	sadd.s32 s21, s2  }
0x9d: {  	[timem:s6], [sflag:s22] =	dma.local [hbm:s4], s20  }
0x9e: {  	_ =	swait.ge [sflag:s22], s20  }
0x9f: {  	s3 =	ssub.s32 $0x0, s20;
	[sflag:s22] =	ssyncset.done $0x0  }
0xa0: {  	[sflag:s22] =	ssyncadd.s32 s3;
	_ =	sdelay $0x1  }
0xa1: {  	s23 =	simm.s32 $0x1B8B  }
0xa2: {  	_ =	swait.ge [sflag:s23], $0x1  }
0xa3: {  	[sflag:s23] =	ssyncset.done $0x0  }
0xa4: {  	s25 =	simm.s32 $0x1B8E;
	s24 =	sld [smem:$0x3FFE];
	[sflag:s23] =	ssyncadd.s32 $0xFFFFFFFF  }
0xa5: {  	s26 =	simm.s32 $execute0_lowered;
	[smem:$0x3FD2] =	sst s25  }
0xa6: {  	s4 =	sshll.u32 s26, $0x1;
	_ =	strace $0x80000049;
	[dreg:$0x1] =	wrdreg $0xFFFFFFFF  }
0xa7: {  	s28 =	simm.s32 $_size_execute0_lowered;
	s2 =	sadd.s32 s2, s4;
	[dreg:$0x0] =	wrdreg $0x0  }
0xa8: {  	s4 =	sshll.u32 s28, $0x1;
	[dreg:$0x2] =	wrdreg s2  }
0xa9: {  	[dreg:$0x3] =	wrdreg s4  }
0xaa: {  	[dreg:$0x4] =	wrdreg $0xC0  }
0xab: {  	_ =	task [dreg:s6], $0x5FFFF  }
0xac: {  	[dreg:$0x1] =	wrdreg $0xFFFFFFFF  }
0xad: {  	[dreg:$0x0] =	wrdreg $0x60  }
0xae: {  	[dreg:$0x2] =	wrdreg s24  }
0xaf: {  	[dreg:$0x3] =	wrdreg $0x0  }
0xb0: {  	[dreg:$0x4] =	wrdreg $0x9  }
0xb1: {  	_ =	task.clear_ibuf [dreg:s6], $0x5FFFF;
	_ =	strace $0x90000049  }
0xb2: {  	s29 =	simm.s32 $0x9;
	_ =	strace $0x8000004B  }
0xb3: {  	_ =	swait.ge [sflag:s29], $0x1  }
0xb4: {  	[sflag:s29] =	ssyncadd.s32 $0xFFFFFFFF  }
0xb5: {  	_ =	strace $0x9000004B  }
0xb6: {  	_ =	sfence  }
0xb7: {  	s30 =	sld [smem:$0x0];
	_ =	sdelay $0x2  }
0xb8: {  	s31 =	sshll.u32 s1, $0xD;
	s1 =	sshrl.u32 s1, $0x2  }
0xb9: {  	s3 =	sand.u32 $0x4000, s31;
	s1 =	sadd.s32 s1, s30  }
0xba: {  	s0 =	sor.u32 s3, s0;
	s1 =	sshll.u32 s1, $0x11  }
0xbb: {  	s0 =	sor.u32 s1, s0  }
0xbc: {  	s0 =	sadd.s32 $0x8F2B, s0  }
0xbd: {  	[sflag:s0] =	ssyncadd.remote.s32 $0x1  }
0xbe: {  	_ =	sfence.sel $0xFFFF  }
0xbf: {  	[dreg:$0x0] =	wrdreg $0xFFFFFFFF;
	(pc) =	sbr.abs _section_cstart, $3  }
0xc0: {  	[dreg:$0x1] =	wrdreg $0xFFFFFFFF  }
0xc1: {  	_ =	task.clear_ibuf [dreg:s6], $0x2FFFF;
	_ =	strace $0x9FFFFFFF  }
0xc2: {  	(tm) =	ssettm $0x7FFFFFFF  }
0xc3: {  	_ =	shalt  }
tec
execute0_lowered:
.L_overlay_start_1:
0x0: {  	(tag) =	ssettag $0x1  }
0x1: {  	s8 =	rddreg [dreg:$0x0]  }
0x2: {  	s1 =	rddreg [dreg:$0x1];
	s2 =	srdreg.scid  }
0x3: {  	s0 =	rddreg [dreg:$0x2];
	s3 =	simm.s32 $0x0;
	s15 =	simm.s32 $0x18080  }
0x4: {  	s16 =	simm.s32 $0x80;
	s17 =	simm.s32 $0x14000;
	s9 =	sand.u32 $0x1, s2  }
0x5: {  	s18 =	simm.s32 $0x1;
	s2 =	stileid.u32;
	s7 =	smul.u32 $0x140000, s9  }
0x6: {  	s19 =	simm.s32 $0x0;
	[smem:$0x7FF] =	sst s3;
	s10 =	smul.u32 $0x14000, s2  }
0x7: {  	s4 =	sadd.s32 $0x2BE00, s8;
	s5 =	sadd.s32 $0x21E00, s8;
	s11 =	smul.u32 $0x50000, s2  }
0x8: {  	s6 =	sadd.s32 $0x17E00, s8;
	s30 =	ssub.s32 $0x2, s9;
	s9 =	smul.u32 $0x28000, s9  }
0x9: {  	_ =	strace $0x8000004A;
	s13 =	smul.u32 $0x2800, s2;
	s31 =	sshll.u32 s2, $0x6  }
0xa: {  	s12 =	sshrl.u32 s30, $0x1;
	s10 =	sadd.s32 s10, s7;
	s7 =	sadd.s32 $0x2E00, s8  }
0xb: {  	s11 =	sshrl.u32 s11, $0x2;
	s12 =	ssub.s32 s30, s12;
	s9 =	sadd.s32 s13, s9  }
0xc: {  	s13 =	simm.s32 $0x2;
	s10 =	sshrl.u32 s10, $0x3;
	s14 =	sadd.s32 s11, s1  }
0xd: {  	s11 =	smax.u32 s12, $0x1;
	s10 =	sadd.s32 s10, s8;
	s8 =	sor.u32 $0x1C02, s31  }
0xe: {  	s12 =	sshrl.u32 s14, $0x3;
	s14 =	simm.s32 $0x18000;
	s10 =	sadd.s32 $0x53000, s10  }
.LBB2_1:
0xf: {  	[spmem:s12], [sflag:s8] =	dma.local [hbm:s7], $0x2800  }
0x10: {  	s20 =	sand.u32 $0x3C00, s3  }
0x11: {  	s21 =	sand.u32 $0x380, s3;
	_ =	swait.ge [sflag:s13], $0x2800;
	s20 =	sadd.s32 s20, s9  }
0x12: {  	[sflag:s13] =	ssyncset.done $0x0;
	s20 =	sor.u32 s21, s20  }
0x13: {  	[sflag:s13] =	ssyncadd.s32 $0xFFFFD800;
	s20 =	sshrl.u32 s20, $0x3  }
0x14: {  	[bflag:$0x0] =	sbarrier.arrive $0xFFFF;
	s29 =	sadd.s32 s5, s20  }
0x15: {  	[tilespmem:s14], [sflag:$0x2] =	stream.linear.gather [hbm4b:s29+s3], $0x80, $0x38;
	[tilespmem:$0x18100] =	vst v63  }
0x16: {  	_ =	swait.ge [sflag:s13], $0x80  }
0x17: {  	[sflag:s13] =	ssyncset.done $0x0  }
0x18: {  	s20 =	sadd.s32 s6, s20;
	[sflag:s13] =	ssyncadd.s32 $0xFFFFFF80  }
0x19: {  	[tilespmem:s15], [sflag:$0x2] =	stream.linear.gather [hbm4b:s20+s3], $0x80, $0x38;
	[tilespmem:$0x18100] =	vst v63  }
0x1a: {  	_ =	swait.ge [sflag:s13], $0x80  }
0x1b: {  	[sflag:s13] =	ssyncset.done $0x0  }
0x1c: {  	[sflag:s13] =	ssyncadd.s32 $0xFFFFFF80  }
0x1d: {  	[tilespmem:s17], [sflag:$0x1] =	stream.indirect.gather [hbm4b:s4+s16], $0x80, s14, s16, $0xb8;
	[tilespmem:$0x18100] =	vst v63  }
0x1e: {  	_ =	swait.ge [sflag:s18], $0x4000  }
0x1f: {  	s30 =	simm.s32 $0x80;
	[sflag:s18] =	ssyncset.done $0x0  }
0x20: {  	s31 =	sand.u32 $0x3C00, s30;
	[sflag:s18] =	ssyncadd.s32 $0xFFFFC000  }
0x21: {  	[spmem:s1] =	stream.indirect.scatter.add.f32 [tilespmem:s17], [sflag:$0x2], $0x80, s15, s16, $0xb8;
	[tilespmem:$0x18100] =	vst v63  }
0x22: {  	s22 =	sand.u32 $0x380, s30;
	s21 =	sadd.s32 s31, s9;
	_ =	swait.ge [sflag:s13], $0x4000  }
0x23: {  	s21 =	sor.u32 s22, s21;
	s20 =	simm.s32 $0x100;
	[sflag:s13] =	ssyncset.done $0x0  }
.LBB2_2:
0x24: {  	s21 =	sshrl.u32 s21, $0x3  }
0x25: {  	[sflag:s13] =	ssyncadd.s32 $0xFFFFC000;
	s22 =	smov.u32 s20;
	s23 =	sadd.s32 $0x80, s20  }
0x26: {  	p0 =	sne.s32 s20, $0x2700;
	s20 =	sadd.s32 s5, s21  }
0x27: {  	[tilespmem:s14], [sflag:$0x2] =	stream.linear.gather [hbm4b:s20+s3], $0x80, $0x38;
	[tilespmem:$0x18100] =	vst v63  }
0x28: {  	_ =	swait.ge [sflag:s13], $0x80  }
0x29: {  	[sflag:s13] =	ssyncset.done $0x0  }
0x2a: {  	s20 =	sadd.s32 s6, s21;
	[sflag:s13] =	ssyncadd.s32 $0xFFFFFF80  }
0x2b: {  	[tilespmem:s15], [sflag:$0x2] =	stream.linear.gather [hbm4b:s20+s3], $0x80, $0x38;
	[tilespmem:$0x18100] =	vst v63  }
0x2c: {  	_ =	swait.ge [sflag:s13], $0x80  }
0x2d: {  	[sflag:s13] =	ssyncset.done $0x0  }
0x2e: {  	[sflag:s13] =	ssyncadd.s32 $0xFFFFFF80  }
0x2f: {  	[tilespmem:s17], [sflag:$0x1] =	stream.indirect.gather [hbm4b:s4+s16], $0x80, s14, s16, $0xb8;
	[tilespmem:$0x18100] =	vst v63  }
0x30: {  	_ =	swait.ge [sflag:s18], $0x4000  }
.Ltmp0:
0x31: {  	[sflag:s18] =	ssyncset.done $0x0;
	(pc) =	sbr.rel @p0 .LBB2_2-.Ltmp0, $4  }
0x32: {  	s20 =	sand.u32 $0x3C00, s22;
	[sflag:s18] =	ssyncadd.s32 $0xFFFFC000  }
0x33: {  	[spmem:s1] =	stream.indirect.scatter.add.f32 [tilespmem:s17], [sflag:$0x2], $0x80, s15, s16, $0xb8;
	[tilespmem:$0x18100] =	vst v63  }
0x34: {  	s21 =	sand.u32 $0x380, s22;
	s20 =	sadd.s32 s20, s9;
	_ =	swait.ge [sflag:s13], $0x4000  }
0x35: {  	s21 =	sor.u32 s21, s20;
	s20 =	smov.u32 s23;
	[sflag:s13] =	ssyncset.done $0x0  }
0x36: {  	s20 =	sshrl.u32 s21, $0x3  }
0x37: {  	[sflag:s13] =	ssyncadd.s32 $0xFFFFC000;
	s21 =	sadd.s32 s5, s20  }
0x38: {  	[tilespmem:s14], [sflag:$0x2] =	stream.linear.gather [hbm4b:s21+s3], $0x80, $0x38;
	[tilespmem:$0x18100] =	vst v63  }
0x39: {  	_ =	swait.ge [sflag:s13], $0x80  }
0x3a: {  	[sflag:s13] =	ssyncset.done $0x0  }
0x3b: {  	s20 =	sadd.s32 s6, s20;
	[sflag:s13] =	ssyncadd.s32 $0xFFFFFF80  }
0x3c: {  	[tilespmem:s15], [sflag:$0x2] =	stream.linear.gather [hbm4b:s20+s3], $0x80, $0x38;
	[tilespmem:$0x18100] =	vst v63  }
0x3d: {  	_ =	swait.ge [sflag:s13], $0x80  }
0x3e: {  	[sflag:s13] =	ssyncset.done $0x0  }
0x3f: {  	[sflag:s13] =	ssyncadd.s32 $0xFFFFFF80  }
0x40: {  	[tilespmem:s17], [sflag:$0x1] =	stream.indirect.gather [hbm4b:s4+s16], $0x80, s14, s16, $0xb8;
	[tilespmem:$0x18100] =	vst v63  }
0x41: {  	_ =	swait.ge [sflag:s18], $0x4000  }
0x42: {  	[sflag:s18] =	ssyncset.done $0x0  }
0x43: {  	[sflag:s18] =	ssyncadd.s32 $0xFFFFC000  }
0x44: {  	[spmem:s1] =	stream.indirect.scatter.add.f32 [tilespmem:s17], [sflag:$0x2], $0x80, s15, s16, $0xb8;
	[tilespmem:$0x18100] =	vst v63  }
0x45: {  	_ =	swait.ge [sflag:s13], $0x4000  }
0x46: {  	s19 =	sadd.s32 $0x1, s19;
	[sflag:s13] =	ssyncset.done $0x0  }
0x47: {  	p0 =	sne.s32 s19, s11;
	[sflag:s13] =	ssyncadd.s32 $0xFFFFC000  }
.Ltmp1:
0x48: {  	[bflag:$0x0] =	sbarrier.arrive $0xFFFF;
	(pc) =	sbr.rel @p0 .LBB2_1-.Ltmp1, $4  }
0x49: {  	[hbm:s10], [sflag:s8] =	dma.local [spmem:s12], $0x2800  }
0x4a: {  	_ =	swait.ge [sflag:s13], $0x2800  }
0x4b: {  	[sflag:s13] =	ssyncset.done $0x0  }
0x4c: {  	[sflag:s13] =	ssyncadd.s32 $0xFFFFD800  }
0x4d: {  	_ =	sfence.sel $0x180000  }
0x4e: {  	[bflag:$0x0] =	sbarrier.arrive $0xFFFF  }
0x4f: {  	p0 =	sne.s32 s2, $0x0;
	_ =	strace $0x9000004A  }
0x50: {  	s0 =	sadd.s32 @!p0 $0x100000, s0;
	[bflag:$0x2] =	sbarrier.arrive $0xFFFF  }
0x51: {  	[sflag:s0] =	ssyncadd.tile.s32 @!p0 $0x1;
	_ =	shalt  }
.Lfunc_end2:
_tile_overlayer_lowered:
.L_overlay_start_2:
0x52: {  	(tag) =	ssettag $0x2  }
0x53: {  	s0 =	rddreg [dreg:$0x0];
	s2 =	stileid.u32  }
0x54: {  	s1 =	rddreg [dreg:$0x1];
	p0 =	sne.s32 s2, $0x0  }
0x55: {  	s3 =	rddreg [dreg:$0x2];
	[bflag:$0x3] =	sbarrier.arrive $0xFFFF;
	s2 =	simm.s32 @!p0 $0x1C02  }
0x56: {  	[timem:s3], [sflag:s2] =	dma.local @!p0 [hbm:s0], s1  }
0x57: {  	s0 =	simm.s32 @!p0 $0x2  }
0x58: {  	_ =	swait.ge @!p0 [sflag:s0], s1  }
0x59: {  	s1 =	ssub.s32 @!p0 $0x0, s1;
	[sflag:s0] =	ssyncset.done @!p0 $0x0  }
0x5a: {  	[sflag:s0] =	ssyncadd.s32 @!p0 s1  }
0x5b: {  	[bflag:$0x3] =	sbarrier.arrive $0xFFFF  }
0x5c: {  	_ =	shalt  }

// kernel: kernel.14.cloned.1.call-start
scs
__scs_entry_jumppad:
0x0: {  	(pc) =	sbr.rel $0x88, $3  }
0x1: {  	(tag) =	ssettag $0x0;
	lr =	simm.s32 $0x1  }
0x2: {  	[smem:$0x3F93] =	sst lr;
	_ =	strace $0xD0000000  }
0x3: {  	_ = 	snop  }
0x4: {  	_ = 	snop  }
0x5: {  	_ = 	snop  }
0x6: {  	_ = 	snop  }
0x7: {  	_ = 	snop  }
__scs_overlays_trampoline_lowered:
0x8: {  	[smem:$0x3FA2] =	sst s0  }
0x9: {  	[smem:$0x3FA3] =	sst s1  }
0xa: {  	[smem:$0x3FA4] =	sst s2  }
0xb: {  	[smem:$0x3FA5] =	sst s3  }
0xc: {  	[smem:$0x3FA6] =	sst s4  }
0xd: {  	[smem:$0x3FA7] =	sst s5  }
0xe: {  	[smem:$0x3FA8] =	sst s6  }
0xf: {  	[smem:$0x3FA9] =	sst s7  }
0x10: {  	[smem:$0x3FAA] =	sst s8  }
0x11: {  	[smem:$0x3FAB] =	sst s9;
	s0 =	simm.s32 @!p0 $0x0  }
0x12: {  	s1 =	sld [smem:$0x3F91];
	s0 =	simm.s32 @p0 $0x1  }
0x13: {  	[smem:$0x3FAC] =	sst s0;
	s0 =	simm.s32 @!p1 $0x0  }
0x14: {  	s2 =	sld [smem:$0x3F90];
	s0 =	simm.s32 @p1 $0x1  }
0x15: {  	[smem:$0x3FAD] =	sst s0;
	s0 =	simm.s32 @!p2 $0x0  }
0x16: {  	s3 =	sld [smem:$0x3FDB];
	s0 =	simm.s32 @p2 $0x1  }
0x17: {  	s4 =	simm.s32 $0x1BF5;
	[smem:$0x3FAF] =	sst s0  }
0x18: {  	s0 =	sld [smem:$0x3F92];
	_ =	swait.ge [sflag:s4], $0x0  }
0x19: {  	s7 =	sld [smem:$0x3F93]  }
0x1a: {  	s8 =	sadd.s32 $0xFFFFE003, lr  }
0x1b: {  	s9 =	sadd.s32 $0xFFFFFEF7, lr;
	s5 =	simm.s32 $0xFFFFFFFF;
	p2 =	slt.u32 s8, $0xFFFFF086  }
0x1c: {  	p1 =	slt.u32 s9, $0xF7A;
	s5 =	simm.s32 @!p2 $0x0  }
0x1d: {  	s5 =	simm.s32 @p1 $0x1;
	p0 =	seq.s32 s7, s2  }
0x1e: {  	s7 =	smul.u32 @!p0 $0xF7A, s2;
	p2 =	seq.s32 @!p0 s5, $0x0  }
0x1f: {  	s9 =	smul.u32 $0xF7A, s1;
	s8 =	simm.s32 @!p0 $0x1BF5;
	p2 =	por !p2, p0  }
0x20: {  	[sflag:s8] =	ssyncset.s32 @!p0 $0xFFFFF086;
	s6 =	sadd.s32 @!p0 s3, s7;
	s7 =	simm.s32 @!p0 $0x108  }
0x21: {  	s3 =	sadd.s32 s3, s9;
	s6 =	sadd.s32 @!p0 $0x88, s6;
	s7 =	simm.s32 @p2 $0x1082  }
0x22: {  	[simem:s7], [sflag:s8] =	dma.local @!p0 [hbm:s6], $0xF7A  }
0x23: {  	s9 =	sor.u32 $0xD0000000, s2;
	s6 =	simm.s32 $0x108;
	_ =	swait.ge @!p0 [sflag:s8], $0x0  }
0x24: {  	s3 =	sadd.s32 $0x88, s3;
	s6 =	simm.s32 @!p1 $0x1082;
	[sflag:s4] =	ssyncset.s32 $0xFFFFF086  }
0x25: {  	[simem:s6], [sflag:s4] =	dma.local [hbm:s3], $0xF7A  }
0x26: {  	[smem:$0x3F93] =	sst s1;
	(tag) =	ssettag s2;
	_ =	strace s9  }
0x27: {  	s1 =	sld [smem:$0x3FA3]  }
0x28: {  	s2 =	sld [smem:$0x3FA4]  }
0x29: {  	s4 =	sld [smem:$0x3FA6]  }
0x2a: {  	p0 =	seq.s32 s5, $0x0;
	s5 =	sld [smem:$0x3FA7]  }
0x2b: {  	s6 =	sld [smem:$0x3FA8]  }
0x2c: {  	s7 =	sld [smem:$0x3FA9]  }
0x2d: {  	s3 =	simm.s32 $0x108;
	s8 =	sld [smem:$0x3FAA]  }
0x2e: {  	s3 =	simm.s32 @!p0 $0x1082;
	s9 =	sld [smem:$0x3FAB]  }
0x2f: {  	lr =	sadd.s32 s0, s3;
	s0 =	sld [smem:$0x3FA2]  }
0x30: {  	s3 =	sld [smem:$0x3FA5]  }
0x31: {  	[smem:$0x3FAE] =	sst s10  }
0x32: {  	s10 =	sld [smem:$0x3FAC];
	_ =	sdelay $0x3  }
0x33: {  	p0 =	seq.s32 s10, $0x1;
	s10 =	sld [smem:$0x3FAE];
	_ =	sdelay $0x3  }
0x34: {  	[smem:$0x3FAE] =	sst s10  }
0x35: {  	s10 =	sld [smem:$0x3FAD];
	_ =	sdelay $0x3  }
0x36: {  	p1 =	seq.s32 s10, $0x1;
	s10 =	sld [smem:$0x3FAE];
	_ =	sdelay $0x3  }
0x37: {  	[smem:$0x3FAE] =	sst s10  }
0x38: {  	s10 =	sld [smem:$0x3FAF]  }
0x39: {  	_ = 	snop;
	(pc) =	sbr.ind lr, $3  }
0x3a: {  	_ = 	snop  }
0x3b: {  	_ = 	snop  }
0x3c: {  	p2 =	seq.s32 s10, $0x1;
	s10 =	sld [smem:$0x3FAE]  }
0x3d: {  	_ =	shalt  }
0x3e: {  	_ =	shalt  }
0x3f: {  	_ =	shalt  }
0x40: {  	_ =	shalt  }
0x41: {  	_ =	shalt  }
0x42: {  	_ =	shalt  }
0x43: {  	_ =	shalt  }
0x44: {  	_ =	shalt  }
0x45: {  	_ =	shalt  }
0x46: {  	_ =	shalt  }
0x47: {  	_ =	shalt  }
0x48: {  	_ =	shalt  }
0x49: {  	_ =	shalt  }
0x4a: {  	_ =	shalt  }
0x4b: {  	_ =	shalt  }
0x4c: {  	_ =	shalt  }
0x4d: {  	_ =	shalt  }
0x4e: {  	_ =	shalt  }
0x4f: {  	_ =	shalt  }
0x50: {  	_ =	shalt  }
0x51: {  	_ =	shalt  }
0x52: {  	_ =	shalt  }
0x53: {  	_ =	shalt  }
0x54: {  	_ =	shalt  }
0x55: {  	_ =	shalt  }
0x56: {  	_ =	shalt  }
0x57: {  	_ =	shalt  }
0x58: {  	_ =	shalt  }
0x59: {  	_ =	shalt  }
0x5a: {  	_ =	shalt  }
0x5b: {  	_ =	shalt  }
0x5c: {  	_ =	shalt  }
0x5d: {  	_ =	shalt  }
0x5e: {  	_ =	shalt  }
0x5f: {  	_ =	shalt  }
0x60: {  	_ =	shalt  }
0x61: {  	_ =	shalt  }
0x62: {  	_ =	shalt  }
0x63: {  	_ =	shalt  }
0x64: {  	_ =	shalt  }
0x65: {  	_ =	shalt  }
0x66: {  	_ =	shalt  }
0x67: {  	_ =	shalt  }
0x68: {  	_ =	shalt  }
0x69: {  	_ =	shalt  }
0x6a: {  	_ =	shalt  }
0x6b: {  	_ =	shalt  }
0x6c: {  	_ =	shalt  }
0x6d: {  	_ =	shalt  }
0x6e: {  	_ =	shalt  }
0x6f: {  	_ =	shalt  }
0x70: {  	_ =	shalt  }
0x71: {  	_ =	shalt  }
0x72: {  	_ =	shalt  }
0x73: {  	_ =	shalt  }
0x74: {  	_ =	shalt  }
0x75: {  	_ =	shalt  }
0x76: {  	_ =	shalt  }
0x77: {  	_ =	shalt  }
0x78: {  	_ =	shalt  }
0x79: {  	_ =	shalt  }
0x7a: {  	_ =	shalt  }
0x7b: {  	_ =	shalt  }
0x7c: {  	_ =	shalt  }
0x7d: {  	_ =	shalt  }
0x7e: {  	_ =	shalt  }
0x7f: {  	_ =	shalt  }
0x80: {  	_ =	shalt  }
0x81: {  	_ =	shalt  }
0x82: {  	_ =	shalt  }
0x83: {  	_ =	shalt  }
0x84: {  	_ =	shalt  }
0x85: {  	_ =	shalt  }
0x86: {  	_ =	shalt  }
0x87: {  	_ =	shalt  }
.Lfunc_end0:
.L_simem_size_0:
called_computation.2_lowered:
.L_overlay_start_0:
0x88: {  	s2 =	sld [smem:$0x3FD9]  }
0x89: {  	s3 =	sld [smem:$0x3FFE];
	_ =	sdelay $0x1  }
0x8a: {  	s1 =	srdreg.scid  }
0x8b: {  	s0 =	sand.u32 $0x1, s1  }
0x8c: {  	s16 =	sshll.u32 s0, $0xA;
	s2 =	sadd.s32 s3, s2  }
0x8d: {  	s2 =	sadd.s32 s2, s16  }
0x8e: {  	[smem:$0x3FBA] =	sst s2  }
0x8f: {  	_ = 	snop  }
0x90: {  	(tm) =	ssettm $0x1  }
0x91: {  	s17 =	sld [smem:$0x3FFB];
	_ =	sdelay $0x3  }
0x92: {  	_ =	strace s17  }
0x93: {  	s2 =	sld [smem:$0x3FFC];
	_ =	sdelay $0x3  }
0x94: {  	_ =	strace s2  }
0x95: {  	s2 =	sld [smem:$0x3FFD];
	_ =	sdelay $0x3  }
0x96: {  	_ =	strace s2  }
0x97: {  	_ =	strace $0x8FFFFFFF  }
0x98: {  	s18 =	sld [smem:$0x3FDB];
	_ =	sdelay $0x1  }
0x99: {  	s19 =	simm.s32 $_scs_section_size  }
0x9a: {  	s4 =	simm.s32 $_size__tile_overlayer_lowered;
	s5 =	simm.s32 $_tile_overlayer_lowered  }
0x9b: {  	s22 =	simm.s32 $0x1BFF;
	s21 =	sshll.u32 s5, $0x1;
	s2 =	sadd.s32 s19, s18  }
0x9c: {  	s6 =	simm.s32 $0x0;
	s20 =	sshll.u32 s4, $0x1;
	s4 =	sadd.s32 s21, s2  }
0x9d: {  	[timem:s6], [sflag:s22] =	dma.local [hbm:s4], s20  }
0x9e: {  	_ =	swait.ge [sflag:s22], s20  }
0x9f: {  	s3 =	ssub.s32 $0x0, s20;
	[sflag:s22] =	ssyncset.done $0x0  }
0xa0: {  	[sflag:s22] =	ssyncadd.s32 s3;
	_ =	sdelay $0x1  }
0xa1: {  	s23 =	simm.s32 $0x1B8B  }
0xa2: {  	_ =	swait.ge [sflag:s23], $0x1  }
0xa3: {  	[sflag:s23] =	ssyncset.done $0x0  }
0xa4: {  	s25 =	simm.s32 $0x1B8E;
	s24 =	sld [smem:$0x3FFE];
	[sflag:s23] =	ssyncadd.s32 $0xFFFFFFFF  }
0xa5: {  	s26 =	simm.s32 $execute0_lowered;
	[smem:$0x3FD2] =	sst s25  }
0xa6: {  	s4 =	sshll.u32 s26, $0x1;
	_ =	strace $0x8000004C;
	[dreg:$0x1] =	wrdreg $0xFFFFFFFF  }
0xa7: {  	s28 =	simm.s32 $_size_execute0_lowered;
	s2 =	sadd.s32 s2, s4;
	[dreg:$0x0] =	wrdreg $0x0  }
0xa8: {  	s4 =	sshll.u32 s28, $0x1;
	[dreg:$0x2] =	wrdreg s2  }
0xa9: {  	[dreg:$0x3] =	wrdreg s4  }
0xaa: {  	[dreg:$0x4] =	wrdreg $0xC0  }
0xab: {  	_ =	task [dreg:s6], $0x5FFFF  }
0xac: {  	[dreg:$0x1] =	wrdreg $0xFFFFFFFF  }
0xad: {  	[dreg:$0x0] =	wrdreg $0x60  }
0xae: {  	[dreg:$0x2] =	wrdreg s24  }
0xaf: {  	[dreg:$0x3] =	wrdreg $0x0  }
0xb0: {  	[dreg:$0x4] =	wrdreg $0x9  }
0xb1: {  	_ =	task.clear_ibuf [dreg:s6], $0x5FFFF;
	_ =	strace $0x9000004C  }
0xb2: {  	s29 =	simm.s32 $0x9;
	_ =	strace $0x8000004E  }
0xb3: {  	_ =	swait.ge [sflag:s29], $0x1  }
0xb4: {  	[sflag:s29] =	ssyncadd.s32 $0xFFFFFFFF  }
0xb5: {  	_ =	strace $0x9000004E  }
0xb6: {  	_ =	sfence  }
0xb7: {  	s30 =	sld [smem:$0x0];
	_ =	sdelay $0x2  }
0xb8: {  	s31 =	sshll.u32 s1, $0xD;
	s1 =	sshrl.u32 s1, $0x2  }
0xb9: {  	s3 =	sand.u32 $0x4000, s31;
	s1 =	sadd.s32 s1, s30  }
0xba: {  	s0 =	sor.u32 s3, s0;
	s1 =	sshll.u32 s1, $0x11  }
0xbb: {  	s0 =	sor.u32 s1, s0  }
0xbc: {  	s0 =	sadd.s32 $0x8F2B, s0  }
0xbd: {  	[sflag:s0] =	ssyncadd.remote.s32 $0x1  }
0xbe: {  	_ =	sfence.sel $0xFFFF  }
0xbf: {  	[dreg:$0x0] =	wrdreg $0xFFFFFFFF;
	(pc) =	sbr.abs _section_cstart, $3  }
0xc0: {  	[dreg:$0x1] =	wrdreg $0xFFFFFFFF  }
0xc1: {  	_ =	task.clear_ibuf [dreg:s6], $0x2FFFF;
	_ =	strace $0x9FFFFFFF  }
0xc2: {  	(tm) =	ssettm $0x7FFFFFFF  }
0xc3: {  	_ =	shalt  }
tec
execute0_lowered:
.L_overlay_start_1:
0x0: {  	(tag) =	ssettag $0x1  }
0x1: {  	s8 =	rddreg [dreg:$0x0]  }
0x2: {  	s1 =	rddreg [dreg:$0x1];
	s2 =	srdreg.scid  }
0x3: {  	s0 =	rddreg [dreg:$0x2];
	s3 =	simm.s32 $0x0;
	s15 =	simm.s32 $0x18080  }
0x4: {  	s16 =	simm.s32 $0x80;
	s17 =	simm.s32 $0x14000;
	s9 =	sand.u32 $0x1, s2  }
0x5: {  	s18 =	simm.s32 $0x1;
	s2 =	stileid.u32;
	s7 =	smul.u32 $0x140000, s9  }
0x6: {  	s19 =	simm.s32 $0x0;
	[smem:$0x7FF] =	sst s3;
	s10 =	smul.u32 $0x14000, s2  }
0x7: {  	s4 =	sadd.s32 $0x2BE00, s8;
	s5 =	sadd.s32 $0x21E00, s8;
	s11 =	smul.u32 $0x50000, s2  }
0x8: {  	s6 =	sadd.s32 $0x17E00, s8;
	s30 =	ssub.s32 $0x2, s9;
	s9 =	smul.u32 $0x28000, s9  }
0x9: {  	_ =	strace $0x8000004D;
	s13 =	smul.u32 $0x2800, s2;
	s31 =	sshll.u32 s2, $0x6  }
0xa: {  	s12 =	sshrl.u32 s30, $0x1;
	s10 =	sadd.s32 s10, s7;
	s7 =	sadd.s32 $0x2E00, s8  }
0xb: {  	s11 =	sshrl.u32 s11, $0x2;
	s12 =	ssub.s32 s30, s12;
	s9 =	sadd.s32 s13, s9  }
0xc: {  	s13 =	simm.s32 $0x2;
	s10 =	sshrl.u32 s10, $0x3;
	s14 =	sadd.s32 s11, s1  }
0xd: {  	s11 =	smax.u32 s12, $0x1;
	s10 =	sadd.s32 s10, s8;
	s8 =	sor.u32 $0x1C02, s31  }
0xe: {  	s12 =	sshrl.u32 s14, $0x3;
	s14 =	simm.s32 $0x18000;
	s10 =	sadd.s32 $0x53000, s10  }
.LBB2_1:
0xf: {  	[spmem:s12], [sflag:s8] =	dma.local [hbm:s7], $0x2800  }
0x10: {  	s20 =	sand.u32 $0x3C00, s3  }
0x11: {  	s21 =	sand.u32 $0x380, s3;
	_ =	swait.ge [sflag:s13], $0x2800;
	s20 =	sadd.s32 s20, s9  }
0x12: {  	[sflag:s13] =	ssyncset.done $0x0;
	s20 =	sor.u32 s21, s20  }
0x13: {  	[sflag:s13] =	ssyncadd.s32 $0xFFFFD800;
	s20 =	sshrl.u32 s20, $0x3  }
0x14: {  	[bflag:$0x0] =	sbarrier.arrive $0xFFFF;
	s29 =	sadd.s32 s5, s20  }
0x15: {  	[tilespmem:s14], [sflag:$0x2] =	stream.linear.gather [hbm4b:s29+s3], $0x80, $0x38;
	[tilespmem:$0x18100] =	vst v63  }
0x16: {  	_ =	swait.ge [sflag:s13], $0x80  }
0x17: {  	[sflag:s13] =	ssyncset.done $0x0  }
0x18: {  	s20 =	sadd.s32 s6, s20;
	[sflag:s13] =	ssyncadd.s32 $0xFFFFFF80  }
0x19: {  	[tilespmem:s15], [sflag:$0x2] =	stream.linear.gather [hbm4b:s20+s3], $0x80, $0x38;
	[tilespmem:$0x18100] =	vst v63  }
0x1a: {  	_ =	swait.ge [sflag:s13], $0x80  }
0x1b: {  	[sflag:s13] =	ssyncset.done $0x0  }
0x1c: {  	[sflag:s13] =	ssyncadd.s32 $0xFFFFFF80  }
0x1d: {  	[tilespmem:s17], [sflag:$0x1] =	stream.indirect.gather [hbm4b:s4+s16], $0x80, s14, s16, $0xb8;
	[tilespmem:$0x18100] =	vst v63  }
0x1e: {  	_ =	swait.ge [sflag:s18], $0x4000  }
0x1f: {  	s30 =	simm.s32 $0x80;
	[sflag:s18] =	ssyncset.done $0x0  }
0x20: {  	s31 =	sand.u32 $0x3C00, s30;
	[sflag:s18] =	ssyncadd.s32 $0xFFFFC000  }
0x21: {  	[spmem:s1] =	stream.indirect.scatter.add.f32 [tilespmem:s17], [sflag:$0x2], $0x80, s15, s16, $0xb8;
	[tilespmem:$0x18100] =	vst v63  }
0x22: {  	s22 =	sand.u32 $0x380, s30;
	s21 =	sadd.s32 s31, s9;
	_ =	swait.ge [sflag:s13], $0x4000  }
0x23: {  	s21 =	sor.u32 s22, s21;
	s20 =	simm.s32 $0x100;
	[sflag:s13] =	ssyncset.done $0x0  }
.LBB2_2:
0x24: {  	s21 =	sshrl.u32 s21, $0x3  }
0x25: {  	[sflag:s13] =	ssyncadd.s32 $0xFFFFC000;
	s22 =	smov.u32 s20;
	s23 =	sadd.s32 $0x80, s20  }
0x26: {  	p0 =	sne.s32 s20, $0x2700;
	s20 =	sadd.s32 s5, s21  }
0x27: {  	[tilespmem:s14], [sflag:$0x2] =	stream.linear.gather [hbm4b:s20+s3], $0x80, $0x38;
	[tilespmem:$0x18100] =	vst v63  }
0x28: {  	_ =	swait.ge [sflag:s13], $0x80  }
0x29: {  	[sflag:s13] =	ssyncset.done $0x0  }
0x2a: {  	s20 =	sadd.s32 s6, s21;
	[sflag:s13] =	ssyncadd.s32 $0xFFFFFF80  }
0x2b: {  	[tilespmem:s15], [sflag:$0x2] =	stream.linear.gather [hbm4b:s20+s3], $0x80, $0x38;
	[tilespmem:$0x18100] =	vst v63  }
0x2c: {  	_ =	swait.ge [sflag:s13], $0x80  }
0x2d: {  	[sflag:s13] =	ssyncset.done $0x0  }
0x2e: {  	[sflag:s13] =	ssyncadd.s32 $0xFFFFFF80  }
0x2f: {  	[tilespmem:s17], [sflag:$0x1] =	stream.indirect.gather [hbm4b:s4+s16], $0x80, s14, s16, $0xb8;
	[tilespmem:$0x18100] =	vst v63  }
0x30: {  	_ =	swait.ge [sflag:s18], $0x4000  }
.Ltmp0:
0x31: {  	[sflag:s18] =	ssyncset.done $0x0;
	(pc) =	sbr.rel @p0 .LBB2_2-.Ltmp0, $4  }
0x32: {  	s20 =	sand.u32 $0x3C00, s22;
	[sflag:s18] =	ssyncadd.s32 $0xFFFFC000  }
0x33: {  	[spmem:s1] =	stream.indirect.scatter.add.f32 [tilespmem:s17], [sflag:$0x2], $0x80, s15, s16, $0xb8;
	[tilespmem:$0x18100] =	vst v63  }
0x34: {  	s21 =	sand.u32 $0x380, s22;
	s20 =	sadd.s32 s20, s9;
	_ =	swait.ge [sflag:s13], $0x4000  }
0x35: {  	s21 =	sor.u32 s21, s20;
	s20 =	smov.u32 s23;
	[sflag:s13] =	ssyncset.done $0x0  }
0x36: {  	s20 =	sshrl.u32 s21, $0x3  }
0x37: {  	[sflag:s13] =	ssyncadd.s32 $0xFFFFC000;
	s21 =	sadd.s32 s5, s20  }
0x38: {  	[tilespmem:s14], [sflag:$0x2] =	stream.linear.gather [hbm4b:s21+s3], $0x80, $0x38;
	[tilespmem:$0x18100] =	vst v63  }
0x39: {  	_ =	swait.ge [sflag:s13], $0x80  }
0x3a: {  	[sflag:s13] =	ssyncset.done $0x0  }
0x3b: {  	s20 =	sadd.s32 s6, s20;
	[sflag:s13] =	ssyncadd.s32 $0xFFFFFF80  }
0x3c: {  	[tilespmem:s15], [sflag:$0x2] =	stream.linear.gather [hbm4b:s20+s3], $0x80, $0x38;
	[tilespmem:$0x18100] =	vst v63  }
0x3d: {  	_ =	swait.ge [sflag:s13], $0x80  }
0x3e: {  	[sflag:s13] =	ssyncset.done $0x0  }
0x3f: {  	[sflag:s13] =	ssyncadd.s32 $0xFFFFFF80  }
0x40: {  	[tilespmem:s17], [sflag:$0x1] =	stream.indirect.gather [hbm4b:s4+s16], $0x80, s14, s16, $0xb8;
	[tilespmem:$0x18100] =	vst v63  }
0x41: {  	_ =	swait.ge [sflag:s18], $0x4000  }
0x42: {  	[sflag:s18] =	ssyncset.done $0x0  }
0x43: {  	[sflag:s18] =	ssyncadd.s32 $0xFFFFC000  }
0x44: {  	[spmem:s1] =	stream.indirect.scatter.add.f32 [tilespmem:s17], [sflag:$0x2], $0x80, s15, s16, $0xb8;
	[tilespmem:$0x18100] =	vst v63  }
0x45: {  	_ =	swait.ge [sflag:s13], $0x4000  }
0x46: {  	s19 =	sadd.s32 $0x1, s19;
	[sflag:s13] =	ssyncset.done $0x0  }
0x47: {  	p0 =	sne.s32 s19, s11;
	[sflag:s13] =	ssyncadd.s32 $0xFFFFC000  }
.Ltmp1:
0x48: {  	[bflag:$0x0] =	sbarrier.arrive $0xFFFF;
	(pc) =	sbr.rel @p0 .LBB2_1-.Ltmp1, $4  }
0x49: {  	[hbm:s10], [sflag:s8] =	dma.local [spmem:s12], $0x2800  }
0x4a: {  	_ =	swait.ge [sflag:s13], $0x2800  }
0x4b: {  	[sflag:s13] =	ssyncset.done $0x0  }
0x4c: {  	[sflag:s13] =	ssyncadd.s32 $0xFFFFD800  }
0x4d: {  	_ =	sfence.sel $0x180000  }
0x4e: {  	[bflag:$0x0] =	sbarrier.arrive $0xFFFF  }
0x4f: {  	p0 =	sne.s32 s2, $0x0;
	_ =	strace $0x9000004D  }
0x50: {  	s0 =	sadd.s32 @!p0 $0x100000, s0;
	[bflag:$0x2] =	sbarrier.arrive $0xFFFF  }
0x51: {  	[sflag:s0] =	ssyncadd.tile.s32 @!p0 $0x1;
	_ =	shalt  }
.Lfunc_end2:
_tile_overlayer_lowered:
.L_overlay_start_2:
0x52: {  	(tag) =	ssettag $0x2  }
0x53: {  	s0 =	rddreg [dreg:$0x0];
	s2 =	stileid.u32  }
0x54: {  	s1 =	rddreg [dreg:$0x1];
	p0 =	sne.s32 s2, $0x0  }
0x55: {  	s3 =	rddreg [dreg:$0x2];
	[bflag:$0x3] =	sbarrier.arrive $0xFFFF;
	s2 =	simm.s32 @!p0 $0x1C02  }
0x56: {  	[timem:s3], [sflag:s2] =	dma.local @!p0 [hbm:s0], s1  }
0x57: {  	s0 =	simm.s32 @!p0 $0x2  }
0x58: {  	_ =	swait.ge @!p0 [sflag:s0], s1  }
0x59: {  	s1 =	ssub.s32 @!p0 $0x0, s1;
	[sflag:s0] =	ssyncset.done @!p0 $0x0  }
0x5a: {  	[sflag:s0] =	ssyncadd.s32 @!p0 s1  }
0x5b: {  	[bflag:$0x3] =	sbarrier.arrive $0xFFFF  }
0x5c: {  	_ =	shalt  }

// kernel: kernel.8.cloned.1.call-start
scs
__scs_entry_jumppad:
0x0: {  	(pc) =	sbr.rel $0x88, $3  }
0x1: {  	(tag) =	ssettag $0x0;
	lr =	simm.s32 $0x1  }
0x2: {  	[smem:$0x3F93] =	sst lr;
	_ =	strace $0xD0000000  }
0x3: {  	_ = 	snop  }
0x4: {  	_ = 	snop  }
0x5: {  	_ = 	snop  }
0x6: {  	_ = 	snop  }
0x7: {  	_ = 	snop  }
__scs_overlays_trampoline_lowered:
0x8: {  	[smem:$0x3FA2] =	sst s0  }
0x9: {  	[smem:$0x3FA3] =	sst s1  }
0xa: {  	[smem:$0x3FA4] =	sst s2  }
0xb: {  	[smem:$0x3FA5] =	sst s3  }
0xc: {  	[smem:$0x3FA6] =	sst s4  }
0xd: {  	[smem:$0x3FA7] =	sst s5  }
0xe: {  	[smem:$0x3FA8] =	sst s6  }
0xf: {  	[smem:$0x3FA9] =	sst s7  }
0x10: {  	[smem:$0x3FAA] =	sst s8  }
0x11: {  	[smem:$0x3FAB] =	sst s9;
	s0 =	simm.s32 @!p0 $0x0  }
0x12: {  	s1 =	sld [smem:$0x3F91];
	s0 =	simm.s32 @p0 $0x1  }
0x13: {  	[smem:$0x3FAC] =	sst s0;
	s0 =	simm.s32 @!p1 $0x0  }
0x14: {  	s2 =	sld [smem:$0x3F90];
	s0 =	simm.s32 @p1 $0x1  }
0x15: {  	[smem:$0x3FAD] =	sst s0;
	s0 =	simm.s32 @!p2 $0x0  }
0x16: {  	s3 =	sld [smem:$0x3FDB];
	s0 =	simm.s32 @p2 $0x1  }
0x17: {  	s4 =	simm.s32 $0x1BF5;
	[smem:$0x3FAF] =	sst s0  }
0x18: {  	s0 =	sld [smem:$0x3F92];
	_ =	swait.ge [sflag:s4], $0x0  }
0x19: {  	s7 =	sld [smem:$0x3F93]  }
0x1a: {  	s8 =	sadd.s32 $0xFFFFE003, lr  }
0x1b: {  	s9 =	sadd.s32 $0xFFFFFEF7, lr;
	s5 =	simm.s32 $0xFFFFFFFF;
	p2 =	slt.u32 s8, $0xFFFFF086  }
0x1c: {  	p1 =	slt.u32 s9, $0xF7A;
	s5 =	simm.s32 @!p2 $0x0  }
0x1d: {  	s5 =	simm.s32 @p1 $0x1;
	p0 =	seq.s32 s7, s2  }
0x1e: {  	s7 =	smul.u32 @!p0 $0xF7A, s2;
	p2 =	seq.s32 @!p0 s5, $0x0  }
0x1f: {  	s9 =	smul.u32 $0xF7A, s1;
	s8 =	simm.s32 @!p0 $0x1BF5;
	p2 =	por !p2, p0  }
0x20: {  	[sflag:s8] =	ssyncset.s32 @!p0 $0xFFFFF086;
	s6 =	sadd.s32 @!p0 s3, s7;
	s7 =	simm.s32 @!p0 $0x108  }
0x21: {  	s3 =	sadd.s32 s3, s9;
	s6 =	sadd.s32 @!p0 $0x88, s6;
	s7 =	simm.s32 @p2 $0x1082  }
0x22: {  	[simem:s7], [sflag:s8] =	dma.local @!p0 [hbm:s6], $0xF7A  }
0x23: {  	s9 =	sor.u32 $0xD0000000, s2;
	s6 =	simm.s32 $0x108;
	_ =	swait.ge @!p0 [sflag:s8], $0x0  }
0x24: {  	s3 =	sadd.s32 $0x88, s3;
	s6 =	simm.s32 @!p1 $0x1082;
	[sflag:s4] =	ssyncset.s32 $0xFFFFF086  }
0x25: {  	[simem:s6], [sflag:s4] =	dma.local [hbm:s3], $0xF7A  }
0x26: {  	[smem:$0x3F93] =	sst s1;
	(tag) =	ssettag s2;
	_ =	strace s9  }
0x27: {  	s1 =	sld [smem:$0x3FA3]  }
0x28: {  	s2 =	sld [smem:$0x3FA4]  }
0x29: {  	s4 =	sld [smem:$0x3FA6]  }
0x2a: {  	p0 =	seq.s32 s5, $0x0;
	s5 =	sld [smem:$0x3FA7]  }
0x2b: {  	s6 =	sld [smem:$0x3FA8]  }
0x2c: {  	s7 =	sld [smem:$0x3FA9]  }
0x2d: {  	s3 =	simm.s32 $0x108;
	s8 =	sld [smem:$0x3FAA]  }
0x2e: {  	s3 =	simm.s32 @!p0 $0x1082;
	s9 =	sld [smem:$0x3FAB]  }
0x2f: {  	lr =	sadd.s32 s0, s3;
	s0 =	sld [smem:$0x3FA2]  }
0x30: {  	s3 =	sld [smem:$0x3FA5]  }
0x31: {  	[smem:$0x3FAE] =	sst s10  }
0x32: {  	s10 =	sld [smem:$0x3FAC];
	_ =	sdelay $0x3  }
0x33: {  	p0 =	seq.s32 s10, $0x1;
	s10 =	sld [smem:$0x3FAE];
	_ =	sdelay $0x3  }
0x34: {  	[smem:$0x3FAE] =	sst s10  }
0x35: {  	s10 =	sld [smem:$0x3FAD];
	_ =	sdelay $0x3  }
0x36: {  	p1 =	seq.s32 s10, $0x1;
	s10 =	sld [smem:$0x3FAE];
	_ =	sdelay $0x3  }
0x37: {  	[smem:$0x3FAE] =	sst s10  }
0x38: {  	s10 =	sld [smem:$0x3FAF]  }
0x39: {  	_ = 	snop;
	(pc) =	sbr.ind lr, $3  }
0x3a: {  	_ = 	snop  }
0x3b: {  	_ = 	snop  }
0x3c: {  	p2 =	seq.s32 s10, $0x1;
	s10 =	sld [smem:$0x3FAE]  }
0x3d: {  	_ =	shalt  }
0x3e: {  	_ =	shalt  }
0x3f: {  	_ =	shalt  }
0x40: {  	_ =	shalt  }
0x41: {  	_ =	shalt  }
0x42: {  	_ =	shalt  }
0x43: {  	_ =	shalt  }
0x44: {  	_ =	shalt  }
0x45: {  	_ =	shalt  }
0x46: {  	_ =	shalt  }
0x47: {  	_ =	shalt  }
0x48: {  	_ =	shalt  }
0x49: {  	_ =	shalt  }
0x4a: {  	_ =	shalt  }
0x4b: {  	_ =	shalt  }
0x4c: {  	_ =	shalt  }
0x4d: {  	_ =	shalt  }
0x4e: {  	_ =	shalt  }
0x4f: {  	_ =	shalt  }
0x50: {  	_ =	shalt  }
0x51: {  	_ =	shalt  }
0x52: {  	_ =	shalt  }
0x53: {  	_ =	shalt  }
0x54: {  	_ =	shalt  }
0x55: {  	_ =	shalt  }
0x56: {  	_ =	shalt  }
0x57: {  	_ =	shalt  }
0x58: {  	_ =	shalt  }
0x59: {  	_ =	shalt  }
0x5a: {  	_ =	shalt  }
0x5b: {  	_ =	shalt  }
0x5c: {  	_ =	shalt  }
0x5d: {  	_ =	shalt  }
0x5e: {  	_ =	shalt  }
0x5f: {  	_ =	shalt  }
0x60: {  	_ =	shalt  }
0x61: {  	_ =	shalt  }
0x62: {  	_ =	shalt  }
0x63: {  	_ =	shalt  }
0x64: {  	_ =	shalt  }
0x65: {  	_ =	shalt  }
0x66: {  	_ =	shalt  }
0x67: {  	_ =	shalt  }
0x68: {  	_ =	shalt  }
0x69: {  	_ =	shalt  }
0x6a: {  	_ =	shalt  }
0x6b: {  	_ =	shalt  }
0x6c: {  	_ =	shalt  }
0x6d: {  	_ =	shalt  }
0x6e: {  	_ =	shalt  }
0x6f: {  	_ =	shalt  }
0x70: {  	_ =	shalt  }
0x71: {  	_ =	shalt  }
0x72: {  	_ =	shalt  }
0x73: {  	_ =	shalt  }
0x74: {  	_ =	shalt  }
0x75: {  	_ =	shalt  }
0x76: {  	_ =	shalt  }
0x77: {  	_ =	shalt  }
0x78: {  	_ =	shalt  }
0x79: {  	_ =	shalt  }
0x7a: {  	_ =	shalt  }
0x7b: {  	_ =	shalt  }
0x7c: {  	_ =	shalt  }
0x7d: {  	_ =	shalt  }
0x7e: {  	_ =	shalt  }
0x7f: {  	_ =	shalt  }
0x80: {  	_ =	shalt  }
0x81: {  	_ =	shalt  }
0x82: {  	_ =	shalt  }
0x83: {  	_ =	shalt  }
0x84: {  	_ =	shalt  }
0x85: {  	_ =	shalt  }
0x86: {  	_ =	shalt  }
0x87: {  	_ =	shalt  }
.Lfunc_end0:
.L_simem_size_0:
called_computation_lowered:
.L_overlay_start_0:
0x88: {  	s2 =	sld [smem:$0x3FD9]  }
0x89: {  	s3 =	sld [smem:$0x3FFE];
	_ =	sdelay $0x1  }
0x8a: {  	s1 =	srdreg.scid  }
0x8b: {  	s0 =	sand.u32 $0x1, s1  }
0x8c: {  	s16 =	sshll.u32 s0, $0xA;
	s2 =	sadd.s32 s3, s2  }
0x8d: {  	s2 =	sadd.s32 s2, s16  }
0x8e: {  	[smem:$0x3FBA] =	sst s2  }
0x8f: {  	_ = 	snop  }
0x90: {  	(tm) =	ssettm $0x1  }
0x91: {  	s17 =	sld [smem:$0x3FFB];
	_ =	sdelay $0x3  }
0x92: {  	_ =	strace s17  }
0x93: {  	s2 =	sld [smem:$0x3FFC];
	_ =	sdelay $0x3  }
0x94: {  	_ =	strace s2  }
0x95: {  	s2 =	sld [smem:$0x3FFD];
	_ =	sdelay $0x3  }
0x96: {  	_ =	strace s2  }
0x97: {  	_ =	strace $0x8FFFFFFF  }
0x98: {  	s18 =	sld [smem:$0x3FDB];
	_ =	sdelay $0x1  }
0x99: {  	s19 =	simm.s32 $_scs_section_size  }
0x9a: {  	s4 =	simm.s32 $_size__tile_overlayer_lowered;
	s5 =	simm.s32 $_tile_overlayer_lowered  }
0x9b: {  	s22 =	simm.s32 $0x1BFF;
	s21 =	sshll.u32 s5, $0x1;
	s2 =	sadd.s32 s19, s18  }
0x9c: {  	s6 =	simm.s32 $0x0;
	s20 =	sshll.u32 s4, $0x1;
	s4 =	sadd.s32 s21, s2  }
0x9d: {  	[timem:s6], [sflag:s22] =	dma.local [hbm:s4], s20  }
0x9e: {  	_ =	swait.ge [sflag:s22], s20  }
0x9f: {  	s3 =	ssub.s32 $0x0, s20;
	[sflag:s22] =	ssyncset.done $0x0  }
0xa0: {  	[sflag:s22] =	ssyncadd.s32 s3;
	_ =	sdelay $0x1  }
0xa1: {  	s23 =	simm.s32 $0x1B8B  }
0xa2: {  	_ =	swait.ge [sflag:s23], $0x1  }
0xa3: {  	[sflag:s23] =	ssyncset.done $0x0  }
0xa4: {  	s25 =	simm.s32 $0x1B8E;
	s24 =	sld [smem:$0x3FFE];
	[sflag:s23] =	ssyncadd.s32 $0xFFFFFFFF  }
0xa5: {  	s26 =	simm.s32 $execute0_lowered;
	[smem:$0x3FD2] =	sst s25  }
0xa6: {  	s4 =	sshll.u32 s26, $0x1;
	_ =	strace $0x80000046;
	[dreg:$0x1] =	wrdreg $0xFFFFFFFF  }
0xa7: {  	s28 =	simm.s32 $_size_execute0_lowered;
	s2 =	sadd.s32 s2, s4;
	[dreg:$0x0] =	wrdreg $0x0  }
0xa8: {  	s4 =	sshll.u32 s28, $0x1;
	[dreg:$0x2] =	wrdreg s2  }
0xa9: {  	[dreg:$0x3] =	wrdreg s4  }
0xaa: {  	[dreg:$0x4] =	wrdreg $0xC0  }
0xab: {  	_ =	task [dreg:s6], $0x5FFFF  }
0xac: {  	[dreg:$0x1] =	wrdreg $0xFFFFFFFF  }
0xad: {  	[dreg:$0x0] =	wrdreg $0x60  }
0xae: {  	[dreg:$0x2] =	wrdreg s24  }
0xaf: {  	[dreg:$0x3] =	wrdreg $0x28000  }
0xb0: {  	[dreg:$0x4] =	wrdreg $0x9  }
0xb1: {  	_ =	task.clear_ibuf [dreg:s6], $0x5FFFF;
	_ =	strace $0x90000046  }
0xb2: {  	s29 =	simm.s32 $0x9;
	_ =	strace $0x80000048  }
0xb3: {  	_ =	swait.ge [sflag:s29], $0x1  }
0xb4: {  	[sflag:s29] =	ssyncadd.s32 $0xFFFFFFFF  }
0xb5: {  	_ =	strace $0x90000048  }
0xb6: {  	_ =	sfence  }
0xb7: {  	s30 =	sld [smem:$0x0];
	_ =	sdelay $0x2  }
0xb8: {  	s31 =	sshll.u32 s1, $0xD;
	s1 =	sshrl.u32 s1, $0x2  }
0xb9: {  	s3 =	sand.u32 $0x4000, s31;
	s1 =	sadd.s32 s1, s30  }
0xba: {  	s0 =	sor.u32 s3, s0;
	s1 =	sshll.u32 s1, $0x11  }
0xbb: {  	s0 =	sor.u32 s1, s0  }
0xbc: {  	s0 =	sadd.s32 $0x8F2B, s0  }
0xbd: {  	[sflag:s0] =	ssyncadd.remote.s32 $0x1  }
0xbe: {  	_ =	sfence.sel $0xFFFF  }
0xbf: {  	[dreg:$0x0] =	wrdreg $0xFFFFFFFF;
	(pc) =	sbr.abs _section_cstart, $3  }
0xc0: {  	[dreg:$0x1] =	wrdreg $0xFFFFFFFF  }
0xc1: {  	_ =	task.clear_ibuf [dreg:s6], $0x2FFFF;
	_ =	strace $0x9FFFFFFF  }
0xc2: {  	(tm) =	ssettm $0x7FFFFFFF  }
0xc3: {  	_ =	shalt  }
tec
execute0_lowered:
.L_overlay_start_1:
0x0: {  	(tag) =	ssettag $0x1  }
0x1: {  	s5 =	rddreg [dreg:$0x0]  }
0x2: {  	s7 =	rddreg [dreg:$0x1]  }
0x3: {  	s0 =	rddreg [dreg:$0x2];
	s3 =	srdreg.scid  }
0x4: {  	s1 =	stileid.u32;
	s2 =	simm.s32 $0x0;
	s13 =	simm.s32 $0x5000  }
0x5: {  	s14 =	simm.s32 $0x80;
	s15 =	simm.s32 $0x5280;
	s16 =	simm.s32 $0x0  }
0x6: {  	s6 =	sand.u32 $0x1, s3;
	s8 =	smul.u32 $0x280, s1;
	[smem:$0x7FF] =	sst s2  }
0x7: {  	s3 =	sadd.s32 $0x2E00, s5;
	s4 =	sadd.s32 $0x16E00, s5;
	s30 =	smul.u32 $0x5000, s1  }
0x8: {  	s10 =	sshrl.u32 s1, $0x3;
	s31 =	sshll.u32 s1, $0x7;
	s9 =	smul.u32 $0x2800, s6  }
0x9: {  	_ =	strace $0x80000047;
	s29 =	ssub.s32 $0x2, s6;
	s10 =	smul.u32 $0x50000, s10  }
0xa: {  	s6 =	smul.u32 $0x50000, s6;
	s11 =	sshrl.u32 s29, $0x1;
	s12 =	sshrl.u32 s30, $0x2  }
0xb: {  	s8 =	sadd.s32 s8, s9;
	s9 =	ssub.s32 s29, s11;
	s10 =	sshrl.u32 s10, $0x2  }
0xc: {  	s11 =	sand.u32 $0x380, s31;
	s8 =	sshrl.u32 s8, $0x3;
	s10 =	sadd.s32 s10, s7  }
0xd: {  	s7 =	sadd.s32 s12, s7;
	s9 =	smax.u32 s9, $0x1;
	s12 =	simm.s32 $0x400  }
0xe: {  	s8 =	sadd.s32 s8, s5;
	s5 =	sadd.s32 s30, s6;
	s6 =	sadd.s32 s11, s10  }
0xf: {  	v0 =	vimm.f32 $1.000000000e+00;
	s10 =	simm.s32 $0x1;
	s11 =	simm.s32 $0x5500;
	s8 =	sadd.s32 $0x17400, s8  }
.LBB2_1:
0x10: {  	[tilespmem:s2], [sflag:$0x1] =	stream.linear.gather [hbm4b:s4+s2], $0x2800, $0x38;
	[tilespmem:$0x5580] =	vst v63  }
0x11: {  	_ =	swait.ge [sflag:s10], $0x2800  }
0x12: {  	[sflag:s10] =	ssyncset.done $0x0  }
0x13: {  	s17 =	simm.s32 $0x0;
	[sflag:s10] =	ssyncadd.s32 $0xFFFFD800  }
.LBB2_2:
0x14: {  	s18 =	sand.u32 $0x7C00, s17  }
0x15: {  	s19 =	sand.u32 $0x380, s17;
	s18 =	sadd.s32 s18, s5  }
0x16: {  	s18 =	sor.u32 s19, s18  }
0x17: {  	s18 =	sshrl.u32 s18, $0x3  }
0x18: {  	s18 =	sadd.s32 s3, s18  }
0x19: {  	[tilespmem:s11], [sflag:$0x1] =	stream.linear.gather [hbm4b:s18+s2], $0x80, $0x38;
	[tilespmem:$0x5580] =	vst v63  }
0x1a: {  	_ =	swait.ge [sflag:s10], $0x80  }
0x1b: {  	[sflag:s10] =	ssyncset.done $0x0  }
0x1c: {  	[sflag:s10] =	ssyncadd.s32 $0xFFFFFF80  }
0x1d: {  	v1 =	vld [tilespmem:$0x5500];
	_ =	sdelay $0x7  }
0x1e: {  	[tilespmem:v1+s2+$0x0] =	vst.idx.add.f32.msk $0xffff, v0  }
0x1f: {  	v1 =	vld [tilespmem:$0x5510];
	_ =	sdelay $0x7  }
0x20: {  	[tilespmem:v1+s2+$0x0] =	vst.idx.add.f32.msk $0xffff, v0  }
0x21: {  	v1 =	vld [tilespmem:$0x5520];
	_ =	sdelay $0x7  }
0x22: {  	[tilespmem:v1+s2+$0x0] =	vst.idx.add.f32.msk $0xffff, v0  }
0x23: {  	v1 =	vld [tilespmem:$0x5530];
	_ =	sdelay $0x7  }
0x24: {  	[tilespmem:v1+s2+$0x0] =	vst.idx.add.f32.msk $0xffff, v0  }
0x25: {  	v1 =	vld [tilespmem:$0x5540];
	_ =	sdelay $0x7  }
0x26: {  	[tilespmem:v1+s2+$0x0] =	vst.idx.add.f32.msk $0xffff, v0  }
0x27: {  	v1 =	vld [tilespmem:$0x5550];
	_ =	sdelay $0x7  }
0x28: {  	[tilespmem:v1+s2+$0x0] =	vst.idx.add.f32.msk $0xffff, v0  }
0x29: {  	v1 =	vld [tilespmem:$0x5560];
	_ =	sdelay $0x7  }
0x2a: {  	[tilespmem:v1+s2+$0x0] =	vst.idx.add.f32.msk $0xffff, v0  }
0x2b: {  	v1 =	vld [tilespmem:$0x5570];
	_ =	sdelay $0x2  }
0x2c: {  	p0 =	sne.s32 s17, $0x4E80  }
.Ltmp0:
0x2d: {  	_ = 	snop;
	(pc) =	sbr.rel @p0 .LBB2_2-.Ltmp0, $2  }
0x2e: {  	_ =	sdelay $0x2  }
0x2f: {  	s17 =	sadd.s32 $0x80, s17;
	[tilespmem:v1+s2+$0x0] =	vst.idx.add.f32.msk $0xffff, v0  }
0x30: {  	s17 =	simm.s32 $0x80;
	s18 =	simm.s32 $0x1  }
0x31: {  	[spmem:s6] =	stream.strided.scatter [tilespmem:s2], [sflag:$0x1], $0x2800, s12, s17, $0x38;
	[tilespmem:$0x5580] =	vst v63  }
0x32: {  	_ =	swait.ge [sflag:s18], $0x2800  }
0x33: {  	[sflag:s18] =	ssyncset.done $0x0  }
0x34: {  	[sflag:s18] =	ssyncadd.s32 $0xFFFFD800  }
0x35: {  	[bflag:$0x0] =	sbarrier.arrive $0xFFFF  }
0x36: {  	[tilespmem:s13], [sflag:$0x1] =	stream.strided.gather [spmem:s7], $0x280, s12, s17, $0x38;
	[tilespmem:$0x5580] =	vst v63  }
0x37: {  	_ =	swait.ge [sflag:s18], $0x280  }
0x38: {  	[sflag:s18] =	ssyncset.done $0x0  }
0x39: {  	[sflag:s18] =	ssyncadd.s32 $0xFFFFFD80  }
.LBB2_4:
0x3a: {  	s19 =	sshrl.u32 s18, $0x3  }
0x3b: {  	s19 =	smul.u32 $0x50000, s19;
	_ =	sdelay $0x1  }
0x3c: {  	s19 =	sshra.s32 s19, $0x2  }
0x3d: {  	s20 =	sand.u32 $0x380, s17;
	s19 =	sadd.s32 s19, s7  }
0x3e: {  	s19 =	sadd.s32 s20, s19  }
0x3f: {  	[tilespmem:s15], [sflag:$0x1] =	stream.strided.gather [spmem:s19], $0x280, s12, s14, $0x38;
	[tilespmem:$0x5580] =	vst v63  }
0x40: {  	_ =	swait.ge [sflag:s10], $0x280  }
0x41: {  	[sflag:s10] =	ssyncset.done $0x0  }
0x42: {  	[sflag:s10] =	ssyncadd.s32 $0xFFFFFD80  }
0x43: {  	v1 =	vld [tilespmem:$0x5000]  }
0x44: {  	v2 =	vld [tilespmem:$0x5280]  }
0x45: {  	v3 =	vld [tilespmem:$0x5010]  }
0x46: {  	v4 =	vld [tilespmem:$0x5290]  }
0x47: {  	v5 =	vld [tilespmem:$0x5020]  }
0x48: {  	v6 =	vld [tilespmem:$0x52A0]  }
0x49: {  	v7 =	vld [tilespmem:$0x5030]  }
0x4a: {  	v8 =	vld [tilespmem:$0x52B0]  }
0x4b: {  	v9 =	vld [tilespmem:$0x5040]  }
0x4c: {  	v10 =	vld [tilespmem:$0x52C0]  }
0x4d: {  	v11 =	vld [tilespmem:$0x5050]  }
0x4e: {  	v12 =	vld [tilespmem:$0x52D0]  }
0x4f: {  	v13 =	vld [tilespmem:$0x5060]  }
0x50: {  	v14 =	vld [tilespmem:$0x52E0]  }
0x51: {  	v15 =	vld [tilespmem:$0x5070]  }
0x52: {  	v16 =	vld [tilespmem:$0x52F0]  }
0x53: {  	v17 =	vld [tilespmem:$0x5080]  }
0x54: {  	v18 =	vld [tilespmem:$0x5300]  }
0x55: {  	v19 =	vld [tilespmem:$0x5090]  }
0x56: {  	v20 =	vld [tilespmem:$0x5310]  }
0x57: {  	v21 =	vld [tilespmem:$0x50A0]  }
0x58: {  	v22 =	vld [tilespmem:$0x5320]  }
0x59: {  	v23 =	vld [tilespmem:$0x50B0]  }
0x5a: {  	v24 =	vld [tilespmem:$0x5330]  }
0x5b: {  	v25 =	vld [tilespmem:$0x50C0]  }
0x5c: {  	v26 =	vld [tilespmem:$0x5340]  }
0x5d: {  	v27 =	vld [tilespmem:$0x50D0]  }
0x5e: {  	v28 =	vld [tilespmem:$0x5350]  }
0x5f: {  	v29 =	vld [tilespmem:$0x50E0]  }
0x60: {  	v30 =	vld [tilespmem:$0x5360]  }
0x61: {  	v31 =	vld [tilespmem:$0x50F0]  }
0x62: {  	v32 =	vld [tilespmem:$0x5370]  }
0x63: {  	v33 =	vld [tilespmem:$0x5100]  }
0x64: {  	v34 =	vld [tilespmem:$0x5380]  }
0x65: {  	v35 =	vld [tilespmem:$0x5110]  }
0x66: {  	v36 =	vld [tilespmem:$0x5390]  }
0x67: {  	v37 =	vld [tilespmem:$0x5120]  }
0x68: {  	v38 =	vld [tilespmem:$0x53A0]  }
0x69: {  	v39 =	vld [tilespmem:$0x5130]  }
0x6a: {  	v40 =	vld [tilespmem:$0x53B0]  }
0x6b: {  	v41 =	vld [tilespmem:$0x5140]  }
0x6c: {  	v42 =	vld [tilespmem:$0x53C0]  }
0x6d: {  	v43 =	vld [tilespmem:$0x5150]  }
0x6e: {  	v44 =	vld [tilespmem:$0x53D0]  }
0x6f: {  	v45 =	vld [tilespmem:$0x5160]  }
0x70: {  	v53 =	vld [tilespmem:$0x53F0];
	v1 =	vadd.f32 v2, v1  }
0x71: {  	v54 =	vld [tilespmem:$0x5180];
	v3 =	vadd.f32 v4, v3  }
0x72: {  	v55 =	vld [tilespmem:$0x5400];
	[tilespmem:$0x5000] =	vst v1;
	v1 =	vadd.f32 v6, v5  }
0x73: {  	v56 =	vld [tilespmem:$0x5190];
	[tilespmem:$0x5010] =	vst v3;
	v3 =	vadd.f32 v8, v7  }
0x74: {  	v57 =	vld [tilespmem:$0x5410];
	[tilespmem:$0x5020] =	vst v1;
	v1 =	vadd.f32 v10, v9  }
0x75: {  	v58 =	vld [tilespmem:$0x51A0];
	[tilespmem:$0x5030] =	vst v3;
	v3 =	vadd.f32 v12, v11  }
0x76: {  	v59 =	vld [tilespmem:$0x5420];
	[tilespmem:$0x5040] =	vst v1;
	v1 =	vadd.f32 v14, v13  }
0x77: {  	v60 =	vld [tilespmem:$0x51B0];
	[tilespmem:$0x5050] =	vst v3;
	v3 =	vadd.f32 v16, v15  }
0x78: {  	v61 =	vld [tilespmem:$0x5430];
	[tilespmem:$0x5060] =	vst v1;
	v1 =	vadd.f32 v18, v17  }
0x79: {  	v62 =	vld [tilespmem:$0x51C0];
	[tilespmem:$0x5070] =	vst v3;
	v3 =	vadd.f32 v20, v19  }
0x7a: {  	v63 =	vld [tilespmem:$0x5440];
	[tilespmem:$0x5080] =	vst v1;
	v1 =	vadd.f32 v22, v21  }
0x7b: {  	v46 =	vld [tilespmem:$0x51E0];
	[tilespmem:$0x5090] =	vst v3;
	v3 =	vadd.f32 v24, v23  }
0x7c: {  	v47 =	vld [tilespmem:$0x5460];
	[tilespmem:$0x50A0] =	vst v1;
	v1 =	vadd.f32 v26, v25  }
0x7d: {  	v48 =	vld [tilespmem:$0x51F0];
	[tilespmem:$0x50B0] =	vst v3;
	v3 =	vadd.f32 v28, v27  }
0x7e: {  	v49 =	vld [tilespmem:$0x5470];
	[tilespmem:$0x50C0] =	vst v1;
	v1 =	vadd.f32 v30, v29  }
0x7f: {  	v50 =	vld [tilespmem:$0x5200];
	[tilespmem:$0x50D0] =	vst v3;
	v3 =	vadd.f32 v32, v31  }
0x80: {  	v51 =	vld [tilespmem:$0x5480];
	[tilespmem:$0x50E0] =	vst v1;
	v1 =	vadd.f32 v34, v33  }
0x81: {  	v2 =	vld [tilespmem:$0x53E0];
	[tilespmem:$0x50F0] =	vst v3;
	v3 =	vadd.f32 v36, v35  }
0x82: {  	v4 =	vld [tilespmem:$0x5170];
	[tilespmem:$0x5100] =	vst v1;
	v1 =	vadd.f32 v38, v37  }
0x83: {  	v52 =	vld [tilespmem:$0x5210];
	[tilespmem:$0x5110] =	vst v3;
	v3 =	vadd.f32 v40, v39  }
0x84: {  	v28 =	vld [tilespmem:$0x51D0];
	[tilespmem:$0x5120] =	vst v1;
	v1 =	vadd.f32 v42, v41  }
0x85: {  	v30 =	vld [tilespmem:$0x5450];
	[tilespmem:$0x5130] =	vst v3;
	v3 =	vadd.f32 v44, v43  }
0x86: {  	[tilespmem:$0x5140] =	vst v1;
	v1 =	vadd.f32 v2, v45;
	v2 =	vld [tilespmem:$0x5490]  }
0x87: {  	[tilespmem:$0x5150] =	vst v3;
	v3 =	vadd.f32 v53, v4;
	v53 =	vld [tilespmem:$0x5220]  }
0x88: {  	[tilespmem:$0x5160] =	vst v1;
	v1 =	vadd.f32 v55, v54;
	v54 =	vld [tilespmem:$0x54A0]  }
0x89: {  	[tilespmem:$0x5170] =	vst v3;
	v3 =	vadd.f32 v57, v56;
	v55 =	vld [tilespmem:$0x5230]  }
0x8a: {  	v56 =	vld [tilespmem:$0x54B0];
	[tilespmem:$0x5180] =	vst v1;
	v1 =	vadd.f32 v59, v58  }
0x8b: {  	v57 =	vld [tilespmem:$0x5240];
	[tilespmem:$0x5190] =	vst v3;
	v3 =	vadd.f32 v61, v60  }
0x8c: {  	v58 =	vld [tilespmem:$0x54C0];
	[tilespmem:$0x51A0] =	vst v1;
	v1 =	vadd.f32 v63, v62  }
0x8d: {  	v59 =	vld [tilespmem:$0x5250];
	[tilespmem:$0x51B0] =	vst v3;
	v3 =	vadd.f32 v30, v28  }
0x8e: {  	v60 =	vld [tilespmem:$0x54D0];
	[tilespmem:$0x51C0] =	vst v1;
	v1 =	vadd.f32 v47, v46  }
0x8f: {  	v61 =	vld [tilespmem:$0x5260];
	[tilespmem:$0x51D0] =	vst v3;
	v3 =	vadd.f32 v49, v48  }
0x90: {  	v2 =	vadd.f32 v2, v52;
	v63 =	vld [tilespmem:$0x54F0];
	[tilespmem:$0x51E0] =	vst v1  }
0x91: {  	v1 =	vadd.f32 v51, v50;
	[tilespmem:$0x51F0] =	vst v3;
	v3 =	vld [tilespmem:$0x5270]  }
0x92: {  	v62 =	vld [tilespmem:$0x54E0];
	[tilespmem:$0x5210] =	vst v2;
	v2 =	vadd.f32 v56, v55  }
0x93: {  	[tilespmem:$0x5200] =	vst v1;
	v1 =	vadd.f32 v54, v53  }
0x94: {  	p0 =	sne.s32 s18, $0xF;
	[tilespmem:$0x5230] =	vst v2;
	v2 =	vadd.f32 v60, v59  }
.Ltmp1:
0x95: {  	[tilespmem:$0x5220] =	vst v1;
	v1 =	vadd.f32 v58, v57;
	(pc) =	sbr.rel @p0 .LBB2_4-.Ltmp1, $4  }
0x96: {  	[tilespmem:$0x5250] =	vst v2;
	v2 =	vadd.f32 v63, v3  }
0x97: {  	[tilespmem:$0x5240] =	vst v1;
	v1 =	vadd.f32 v62, v61  }
0x98: {  	[tilespmem:$0x5270] =	vst v2  }
0x99: {  	s17 =	sadd.s32 $0x80, s17;
	s18 =	sadd.s32 $0x1, s18;
	[tilespmem:$0x5260] =	vst v1  }
0x9a: {  	s16 =	sadd.s32 $0x1, s16  }
0x9b: {  	p0 =	sne.s32 s16, s9  }
.Ltmp2:
0x9c: {  	_ = 	snop;
	(pc) =	sbr.rel @p0 .LBB2_1-.Ltmp2, $4  }
0x9d: {  	[hbm4b:s8+s2] =	stream.linear.scatter [tilespmem:s13], [sflag:$0x1], $0x280, $0x38;
	[tilespmem:$0x5580] =	vst v63  }
0x9e: {  	_ =	swait.ge [sflag:s10], $0x280  }
0x9f: {  	[sflag:s10] =	ssyncset.done $0x0  }
0xa0: {  	[sflag:s10] =	ssyncadd.s32 $0xFFFFFD80  }
0xa1: {  	_ =	sfence.sel $0x180000  }
0xa2: {  	[bflag:$0x0] =	sbarrier.arrive $0xFFFF  }
0xa3: {  	p0 =	sne.s32 s1, $0x0;
	_ =	strace $0x90000047  }
0xa4: {  	s0 =	sadd.s32 @!p0 $0x100000, s0;
	[bflag:$0x2] =	sbarrier.arrive $0xFFFF  }
0xa5: {  	[sflag:s0] =	ssyncadd.tile.s32 @!p0 $0x1;
	_ =	shalt  }
.Lfunc_end2:
_tile_overlayer_lowered:
.L_overlay_start_2:
0xa6: {  	(tag) =	ssettag $0x2  }
0xa7: {  	s0 =	rddreg [dreg:$0x0];
	s2 =	stileid.u32  }
0xa8: {  	s1 =	rddreg [dreg:$0x1];
	p0 =	sne.s32 s2, $0x0  }
0xa9: {  	s3 =	rddreg [dreg:$0x2];
	[bflag:$0x3] =	sbarrier.arrive $0xFFFF;
	s2 =	simm.s32 @!p0 $0x1C01  }
0xaa: {  	[timem:s3], [sflag:s2] =	dma.local @!p0 [hbm:s0], s1  }
0xab: {  	s0 =	simm.s32 @!p0 $0x1  }
0xac: {  	_ =	swait.ge @!p0 [sflag:s0], s1  }
0xad: {  	s1 =	ssub.s32 @!p0 $0x0, s1;
	[sflag:s0] =	ssyncset.done @!p0 $0x0  }
0xae: {  	[sflag:s0] =	ssyncadd.s32 @!p0 s1  }
0xaf: {  	[bflag:$0x3] =	sbarrier.arrive $0xFFFF  }
0xb0: {  	_ =	shalt  }

</sc_bundles>
